<compile_context>
chip_gen: v7x
topology: tpu7x:2x2x1
jax: 0.10.2.dev20260603
libtpu: 0.0.44.dev20260713+nightly
codegen_flags: <defaults>
</compile_context>

<pallas_src>
import functools

import jax
import jax.numpy as jnp
from jax import lax
from jax.experimental import pallas as pl
from jax.experimental.pallas import tpu as pltpu
from jax.experimental.pallas import tpu_sc as plsc

N_BOXES = 20000
ROWS, LANES = 160, 128
N_PAD = ROWS * LANES
K = 1000
KSEL = 1024
PACKED = KSEL + 32 + N_PAD
MAXOUT = 100
SCORE_THR = 0.01
IOU_THR = 0.5
MIN_SIZE = 0.01
IMG = 256.0

NC, NS = 2, 16
NW = NC * NS
CHUNK = N_PAD // NW
BPW = KSEL // NW


def _select_body(bits_ref, dest_ref):
    bits = bits_ref[...]

    def cnt_ge(t):
        return jnp.sum((bits >= t).astype(jnp.float32))

    def bs_body(_, carry):
        lo, hi = carry
        mid = (lo + hi) // 2
        q = cnt_ge(mid) >= float(K)
        return jnp.where(q, mid, lo), jnp.where(q, hi, mid)

    lo, _ = lax.fori_loop(0, 30, bs_body,
                          (jnp.int32(0), jnp.int32(1 << 30)))
    bstar = lo
    c_hi = jnp.sum((bits > bstar).astype(jnp.float32))
    m = float(K) - c_hi

    il0 = lax.broadcasted_iota(jnp.int32, (LANES, LANES), 0)
    il1 = lax.broadcasted_iota(jnp.int32, (LANES, LANES), 1)
    upper = (il0 < il1).astype(jnp.float32)
    ir0 = lax.broadcasted_iota(jnp.int32, (ROWS, ROWS), 0)
    ir1 = lax.broadcasted_iota(jnp.int32, (ROWS, ROWS), 1)
    lower = (ir1 < ir0).astype(jnp.float32)

    def ex_prefix(mask_f):
        lane_ex = jnp.dot(mask_f, upper,
                          preferred_element_type=jnp.float32)
        rowsum = jnp.sum(mask_f, axis=1, keepdims=True)
        row_ex = jnp.dot(lower, rowsum,
                         preferred_element_type=jnp.float32)
        return lane_ex + row_ex

    tie = bits == bstar
    tie_rank = ex_prefix(tie.astype(jnp.float32))
    sel = (bits > bstar) | (tie & (tie_rank < m))
    pos = ex_prefix(sel.astype(jnp.float32)).astype(jnp.int32)
    lin = (lax.broadcasted_iota(jnp.int32, (ROWS, LANES), 0) * LANES
           + lax.broadcasted_iota(jnp.int32, (ROWS, LANES), 1))
    dump = KSEL + 32 + lin
    dest_ref[...] = jnp.where(sel, pos, dump)


@functools.cache
def _make_compact():
    mesh = plsc.VectorSubcoreMesh(core_axis_name="c", subcore_axis_name="s")
    return functools.partial(
        pl.kernel, mesh=mesh,
        compiler_params=pltpu.CompilerParams(use_tc_tiling_on_sc=False),
        out_type=jax.ShapeDtypeStruct((PACKED,), jnp.int32),
        scratch_types=[
            pltpu.VMEM((CHUNK,), jnp.int32),
            pltpu.VMEM((CHUNK,), jnp.int32),
            pltpu.VMEM((32,), jnp.int32),
            pltpu.VMEM((32,), jnp.int32),
            pltpu.SemaphoreType.DMA,
        ],
    )(_compact_body)


def _compact_body(dest_hbm, packed_hbm, pos_v, src_v, zpos_v, zval_v, sem):
    wid = lax.axis_index("s") * NC + lax.axis_index("c")
    base = wid * CHUNK
    pltpu.sync_copy(dest_hbm.at[pl.ds(base, CHUNK)], pos_v)
    for j in range(CHUNK // 16):
        src_v[pl.ds(j * 16, 16)] = lax.iota(jnp.int32, 16) + (base + j * 16)
    pltpu.async_copy(src_v, packed_hbm.at[pos_v], sem).wait()

    @pl.when(wid == 0)
    def _():
        zpos_v[pl.ds(0, 16)] = lax.iota(jnp.int32, 16) + K
        zpos_v[pl.ds(16, 16)] = lax.iota(jnp.int32, 16) + (K + 16)
        zval_v[pl.ds(0, 16)] = jnp.zeros((16,), jnp.int32)
        zval_v[pl.ds(16, 16)] = jnp.zeros((16,), jnp.int32)
        pltpu.async_copy(zval_v, packed_hbm.at[zpos_v], sem).wait()


@functools.cache
def _make_gather():
    mesh = plsc.VectorSubcoreMesh(core_axis_name="c", subcore_axis_name="s")
    return functools.partial(
        pl.kernel, mesh=mesh,
        compiler_params=pltpu.CompilerParams(use_tc_tiling_on_sc=False),
        out_type=(jax.ShapeDtypeStruct((KSEL, 8), jnp.float32),
                  jax.ShapeDtypeStruct((KSEL,), jnp.int32)),
        scratch_types=[
            pltpu.VMEM((BPW,), jnp.int32),
            pltpu.VMEM((BPW, 8), jnp.float32),
            pltpu.VMEM((BPW,), jnp.int32),
            pltpu.SemaphoreType.DMA,
            pltpu.SemaphoreType.DMA,
        ],
    )(_gather_body)


def _gather_body(packed_hbm, bbox_hbm, lab_hbm, boxes_out, labs_out,
                 idx_v, rows_v, lab_v, sem, sem2):
    wid = lax.axis_index("s") * NC + lax.axis_index("c")
    base = wid * BPW
    pltpu.sync_copy(packed_hbm.at[pl.ds(base, BPW)], idx_v)
    cp_rows = pltpu.async_copy(bbox_hbm.at[idx_v], rows_v, sem)
    cp_lab = pltpu.async_copy(lab_hbm.at[idx_v], lab_v, sem2)
    cp_rows.wait()
    cp_lab.wait()
    pltpu.sync_copy(rows_v, boxes_out.at[pl.ds(base, BPW)])
    pltpu.sync_copy(lab_v, labs_out.at[pl.ds(base, BPW)])


def _nms_body(x0_ref, y0_ref, z0_ref, x1_ref, y1_ref, z1_ref, sc_ref,
              lab_ref, dets_ref, labout_ref):
    sc = sc_ref[...]
    labf = lab_ref[...].astype(jnp.float32)
    cx0 = jnp.clip(x0_ref[...], 0.0, IMG)
    cy0 = jnp.clip(y0_ref[...], 0.0, IMG)
    cz0 = jnp.clip(z0_ref[...], 0.0, IMG)
    cx1 = jnp.clip(x1_ref[...], 0.0, IMG)
    cy1 = jnp.clip(y1_ref[...], 0.0, IMG)
    cz1 = jnp.clip(z1_ref[...], 0.0, IMG)

    slot = (lax.broadcasted_iota(jnp.int32, (8, LANES), 0) * LANES
            + lax.broadcasted_iota(jnp.int32, (8, LANES), 1))
    real = slot < K
    valid = ((sc > SCORE_THR)
             & (cx1 - cx0 > MIN_SIZE)
             & (cy1 - cy0 > MIN_SIZE)
             & (cz1 - cz0 > MIN_SIZE)
             & real)

    zero = jnp.float32(0.0)
    mc = jnp.maximum(
        jnp.maximum(jnp.max(jnp.where(real, cx0, zero)),
                    jnp.max(jnp.where(real, cy0, zero))),
        jnp.maximum(
            jnp.maximum(jnp.max(jnp.where(real, cz0, zero)),
                        jnp.max(jnp.where(real, cx1, zero))),
            jnp.maximum(jnp.max(jnp.where(real, cy1, zero)),
                        jnp.max(jnp.where(real, cz1, zero)))))
    off = labf * (mc + 1.0)
    bx0 = cx0 + off
    by0 = cy0 + off
    bz0 = cz0 + off
    bx1 = cx1 + off
    by1 = cy1 + off
    bz1 = cz1 + off
    vol = (jnp.maximum(bx1 - bx0, 0.0)
           * jnp.maximum(by1 - by0, 0.0)
           * jnp.maximum(bz1 - bz0, 0.0))

    dets_ref[...] = jnp.zeros((MAXOUT, LANES), jnp.float32)
    labout_ref[...] = jnp.zeros((MAXOUT, LANES), jnp.int32)

    lane = lax.broadcasted_iota(jnp.int32, (1, LANES), 1)
    neg_inf = jnp.float32(-jnp.inf)

    def cond(carry):
        _, _, done, _ = carry
        return done == 0

    def body(carry):
        avail_f, npick, _, it = carry
        avail = avail_f > zero
        cur = jnp.where(avail, sc, neg_inf)
        mval = jnp.max(cur)
        has = mval > neg_inf
        pick = jnp.min(jnp.where(cur == mval, slot, jnp.int32(1 << 30)))
        pick = jnp.where(has, pick, 0)
        pmask = (slot == pick).astype(jnp.float32)

        def ext(plane):
            return jnp.sum(plane * pmask)

        px0, py0, pz0 = ext(bx0), ext(by0), ext(bz0)
        px1, py1, pz1 = ext(bx1), ext(by1), ext(bz1)
        pvol = ext(vol)
        ltx = jnp.maximum(px0, bx0)
        lty = jnp.maximum(py0, by0)
        ltz = jnp.maximum(pz0, bz0)
        rbx = jnp.minimum(px1, bx1)
        rby = jnp.minimum(py1, by1)
        rbz = jnp.minimum(pz1, bz1)
        inter = (jnp.maximum(rbx - ltx, 0.0)
                 * jnp.maximum(rby - lty, 0.0)
                 * jnp.maximum(rbz - ltz, 0.0))
        union = pvol + vol - inter
        iou = inter / jnp.maximum(union, 1e-8)
        sup = (iou > IOU_THR) | (slot == pick)
        new_avail = avail & jnp.logical_not(sup & has)

        do_out = has & (npick < MAXOUT)

        @pl.when(do_out)
        def _():
            psc = ext(sc)
            row = (jnp.where(lane == 0, ext(cx0), zero)
                   + jnp.where(lane == 1, ext(cy0), zero)
                   + jnp.where(lane == 2, ext(cz0), zero)
                   + jnp.where(lane == 3, ext(cx1), zero)
                   + jnp.where(lane == 4, ext(cy1), zero)
                   + jnp.where(lane == 5, ext(cz1), zero)
                   + jnp.where((lane == 6) | (lane == 7), psc, zero))
            dets_ref[pl.ds(npick, 1), :] = row
            plab = ext(labf).astype(jnp.int32)
            labout_ref[pl.ds(npick, 1), :] = jnp.broadcast_to(
                plab, (1, LANES))

        npick = npick + jnp.where(has, jnp.int32(1), jnp.int32(0))
        done = jnp.where(
            jnp.logical_not(has) | (npick >= MAXOUT) | (it + 1 >= K),
            jnp.int32(1), jnp.int32(0))
        return new_avail.astype(jnp.float32), npick, done, it + 1

    lax.while_loop(cond, body,
                   (valid.astype(jnp.float32), jnp.int32(0),
                    jnp.int32(0), jnp.int32(0)))


def _run_select(bits2d):
    return pl.pallas_call(
        _select_body,
        out_shape=jax.ShapeDtypeStruct((ROWS, LANES), jnp.int32),
    )(bits2d)


def _run_nms(planes, labp):
    return pl.pallas_call(
        _nms_body,
        out_shape=(jax.ShapeDtypeStruct((MAXOUT, LANES), jnp.float32),
                   jax.ShapeDtypeStruct((MAXOUT, LANES), jnp.int32)),
    )(*planes, labp)


def kernel(bbox_nx7, labels):
    scores = bbox_nx7[:, 6]
    bits = lax.bitcast_convert_type(scores, jnp.int32)
    bits2d = jnp.pad(bits, (0, N_PAD - N_BOXES),
                     constant_values=-1).reshape(ROWS, LANES)
    dest = _run_select(bits2d).reshape(N_PAD)
    packed = _make_compact()(dest)
    bbox_pad = jnp.pad(bbox_nx7, ((0, N_PAD - N_BOXES), (0, 1)))
    lab_pad = jnp.pad(labels, (0, N_PAD - N_BOXES))
    boxes_sel, labs_sel = _make_gather()(packed, bbox_pad, lab_pad)
    planes = [boxes_sel[:, i].reshape(8, LANES) for i in range(7)]
    labp = labs_sel.reshape(8, LANES)
    dets, labout = _run_nms(planes, labp)
    return dets[:, :8], labout[:, 0]

# --- scband reference (transcript-rebuilt; emitter-appended) ---
"""Pipeline reference for scband-bbox-seg-ensembler1-case-3427383902217 (READ-ONLY COPY).

The authoritative reference and input builder live on the scoring server;
editing this copy changes nothing except your own understanding.
"""

import jax, jax.numpy as jnp
import numpy as np

IMAGE_SIZE = (256, 256, 256)
SCORE_THR = 0.01
IOU_THR = 0.5
MAX_PER_IMG = 100
NMS_PRE = 1000
MIN_SIZE = 0.01
N_BOXES = 20000
NUM_CLASSES = 2


def _clip_boxes(boxes):
    img = jnp.array(IMAGE_SIZE, dtype=boxes.dtype)
    lo = jnp.clip(boxes[:, :3], 0.0, img)
    hi = jnp.clip(boxes[:, 3:6], 0.0, img)
    return jnp.concatenate([lo, hi], axis=1)


def setup_inputs(seed: int = 0):
    key = jax.random.key(seed)
    k1, k2, k3, k4 = jax.random.split(key, 4)
    centers = jax.random.uniform(k1, (N_BOXES, 3), minval=0.0, maxval=256.0)
    sizes = jax.random.uniform(k2, (N_BOXES, 3), minval=2.0, maxval=30.0)
    lo = centers - sizes / 2.0
    hi = centers + sizes / 2.0
    scores = jax.random.uniform(k3, (N_BOXES, 1))
    bbox_nx7 = jnp.concatenate([lo, hi, scores], axis=1).astype(jnp.float32)
    labels = jax.random.randint(k4, (N_BOXES,), 0, NUM_CLASSES).astype(jnp.int32)
    return {"bbox_nx7": bbox_nx7, "labels": labels}


def reference(bbox_nx7, labels):
    # postprocess_detect_results pipeline, shape-static (mask instead of filter)
    n = bbox_nx7.shape[0]
    k = min(NMS_PRE, n)
    # nms_pre topk on scores (last column)
    _, top_idx = jax.lax.top_k(bbox_nx7[:, 6], k)
    b = bbox_nx7[top_idx]
    lab = labels[top_idx]
    scores = b[:, 6]
    # clip_boxes_to_image
    boxes = _clip_boxes(b[:, :6])
    # score_thr mask + remove_small_boxes mask
    valid = scores > SCORE_THR
    wh = boxes[:, 3:6] - boxes[:, :3]
    valid = valid & jnp.all(wh > MIN_SIZE, axis=1)
    # batched (class-aware) NMS: offset boxes per label
    max_coord = jnp.max(boxes)
    off = lab.astype(boxes.dtype) * (max_coord + 1.0)
    boff = boxes + off[:, None]
    # pairwise 3D IoU
    lt = jnp.maximum(boff[:, None, :3], boff[None, :, :3])
    rb = jnp.minimum(boff[:, None, 3:6], boff[None, :, 3:6])
    inter = jnp.prod(jnp.maximum(rb - lt, 0.0), axis=-1)
    vol = jnp.prod(jnp.maximum(boff[:, 3:6] - boff[:, :3], 0.0), axis=-1)
    union = vol[:, None] + vol[None, :] - inter
    iou = inter / jnp.maximum(union, 1e-8)
    # greedy NMS in score order
    order = jnp.argsort(-jnp.where(valid, scores, -jnp.inf))
    arange_k = jnp.arange(k)
    def body(i, keep):
        idx = order[i]
        alive = keep[idx]
        suppress = (iou[idx] > IOU_THR) & (arange_k != idx)
        return jnp.where(alive, keep & (~suppress), keep)
    keep = jax.lax.fori_loop(0, k, body, valid)
    # max_per_img truncation (fixed output shape, zero-padded)
    final_scores = jnp.where(keep, scores, -jnp.inf)
    sel_scores, sel = jax.lax.top_k(final_scores, MAX_PER_IMG)
    valid_out = jnp.isfinite(sel_scores)
    dets = jnp.concatenate([boxes[sel], scores[sel][:, None], scores[sel][:, None]], axis=1)
    dets = dets * valid_out[:, None].astype(dets.dtype)
    labels_out = jnp.where(valid_out, lab[sel], 0)
    return dets, labels_out


if False:  # reference __main__ guard neutralized (emitter)
    out = reference(**setup_inputs())
    print(out[0].shape, out[1].shape)

if __name__ == "__main__":
    import jax
    _d = setup_inputs()
    print(jax.jit(kernel)(*tuple(_d.values())))

</pallas_src>

<mosaic_0001>
#map = affine_map<(d0, d1) -> (0)>
module attributes {stable_mosaic.version = 14 : i64} {
  func.func @_compact_body(%arg0: i32, %arg1: i32, %arg2: memref<20480xi32, #tpu.memory_space<hbm>>, %arg3: memref<21536xi32, #tpu.memory_space<hbm>>, %arg4: memref<640xi32, #tpu.memory_space<vmem>>, %arg5: memref<640xi32, #tpu.memory_space<vmem>>, %arg6: memref<32xi32, #tpu.memory_space<vmem>>, %arg7: memref<32xi32, #tpu.memory_space<vmem>>, %arg8: memref<!tpu.dma_semaphore, #tpu.memory_space<semaphore_mem>>) attributes {dimension_semantics = [#tpu.dimension_semantics<core_parallel>, #tpu.dimension_semantics<subcore_parallel>], iteration_bounds = array<i64: 2, 16>, scalar_prefetch = 0 : i64, scratch_operands = 5 : i64, tpu.core_type = #tpu.core_type<sc_vector_subcore>, window_params = [{transform_indices = #map}, {transform_indices = #map}]} {
    %mul3A = arith.constant 2 : i32
    %mul3A_0 = arith.muli %arg1, %mul3A : i32
    %add3A = arith.addi %mul3A_0, %arg0 : i32
    %mul3A_1 = arith.constant 640 : i32
    %mul3A_2 = arith.muli %add3A, %mul3A_1 : i32
    "tpu.region"() ({
      %run_scoped3A = tpu.sem_alloc : memref<!tpu.dma_semaphore, #tpu.memory_space<semaphore_mem>>
      %dma_start3A_365 = tpu.memref_slice %arg2[%mul3A_2] : memref<20480xi32, #tpu.memory_space<hbm>> -> memref<640xi32, #tpu.memory_space<hbm>>
      %dma_start3A_366 = tpu.memref_slice %arg2[%mul3A_2] : memref<20480xi32, #tpu.memory_space<hbm>> -> memref<640xi32, #tpu.memory_space<hbm>>
      tpu.enqueue_dma source(%dma_start3A_366 : memref<640xi32, #tpu.memory_space<hbm>>) target(%arg4 : memref<640xi32, #tpu.memory_space<vmem>>) target_semaphore(%run_scoped3A : memref<!tpu.dma_semaphore, #tpu.memory_space<semaphore_mem>>)
      %dma_wait3A_367 = tpu.memref_slice %arg2[%mul3A_2] : memref<20480xi32, #tpu.memory_space<hbm>> -> memref<640xi32, #tpu.memory_space<hbm>>
      %dma_wait3A_368 = tpu.memref_slice %arg2[%mul3A_2] : memref<20480xi32, #tpu.memory_space<hbm>> -> memref<640xi32, #tpu.memory_space<hbm>>
      tpu.wait_dma2 semaphore(%run_scoped3A : memref<!tpu.dma_semaphore, #tpu.memory_space<semaphore_mem>>) src(%dma_wait3A_368 : memref<640xi32, #tpu.memory_space<hbm>>) dst(%arg4 : memref<640xi32, #tpu.memory_space<vmem>>)
      tpu.yield
    }) : () -> ()
    %iota3A = tpu.iota {dimensions = array<i32: 0>} : vector<16xi32>
    %add3A_3 = arith.constant 0 : i32
    %add3A_4 = arith.addi %mul3A_2, %add3A_3 : i32
    %add3A_5 = vector.broadcast %add3A_4 : i32 to vector<16xi32>
    %add3A_6 = arith.addi %iota3A, %add3A_5 : vector<16xi32>
    %swap3A = arith.constant 0 : index
    %swap3A_7 = tpu.vector_load %arg5[%swap3A] {strides = array<i32>} : memref<640xi32, #tpu.memory_space<vmem>>, vector<16xi32>,
    %swap3A_8 = vector.shape_cast %swap3A_7 : vector<16xi32> to vector<16xi32>
    %swap3A_9 = vector.shape_cast %add3A_6 : vector<16xi32> to vector<16xi32>
    tpu.vector_store %arg5[%swap3A], %swap3A_9 {strides = array<i32>} : memref<640xi32, #tpu.memory_space<vmem>>, vector<16xi32>,
    %iota3A_10 = tpu.iota {dimensions = array<i32: 0>} : vector<16xi32>
    %add3A_11 = arith.constant 16 : i32
    %add3A_12 = arith.addi %mul3A_2, %add3A_11 : i32
    %add3A_13 = vector.broadcast %add3A_12 : i32 to vector<16xi32>
    %add3A_14 = arith.addi %iota3A_10, %add3A_13 : vector<16xi32>
    %swap3A_15 = arith.constant 16 : index
    %swap3A_16 = tpu.vector_load %arg5[%swap3A_15] {strides = array<i32>} : memref<640xi32, #tpu.memory_space<vmem>>, vector<16xi32>,
    %swap3A_17 = vector.shape_cast %swap3A_16 : vector<16xi32> to vector<16xi32>
    %swap3A_18 = vector.shape_cast %add3A_14 : vector<16xi32> to vector<16xi32>
    tpu.vector_store %arg5[%swap3A_15], %swap3A_18 {strides = array<i32>} : memref<640xi32, #tpu.memory_space<vmem>>, vector<16xi32>,
    %iota3A_19 = tpu.iota {dimensions = array<i32: 0>} : vector<16xi32>
    %add3A_20 = arith.constant 32 : i32
    %add3A_21 = arith.addi %mul3A_2, %add3A_20 : i32
    %add3A_22 = vector.broadcast %add3A_21 : i32 to vector<16xi32>
    %add3A_23 = arith.addi %iota3A_19, %add3A_22 : vector<16xi32>
    %swap3A_24 = arith.constant 32 : index
    %swap3A_25 = tpu.vector_load %arg5[%swap3A_24] {strides = array<i32>} : memref<640xi32, #tpu.memory_space<vmem>>, vector<16xi32>,
    %swap3A_26 = vector.shape_cast %swap3A_25 : vector<16xi32> to vector<16xi32>
    %swap3A_27 = vector.shape_cast %add3A_23 : vector<16xi32> to vector<16xi32>
    tpu.vector_store %arg5[%swap3A_24], %swap3A_27 {strides = array<i32>} : memref<640xi32, #tpu.memory_space<vmem>>, vector<16xi32>,
    %iota3A_28 = tpu.iota {dimensions = array<i32: 0>} : vector<16xi32>
    %add3A_29 = arith.constant 48 : i32
    %add3A_30 = arith.addi %mul3A_2, %add3A_29 : i32
    %add3A_31 = vector.broadcast %add3A_30 : i32 to vector<16xi32>
    %add3A_32 = arith.addi %iota3A_28, %add3A_31 : vector<16xi32>
    %swap3A_33 = arith.constant 48 : index
    %swap3A_34 = tpu.vector_load %arg5[%swap3A_33] {strides = array<i32>} : memref<640xi32, #tpu.memory_space<vmem>>, vector<16xi32>,
    %swap3A_35 = vector.shape_cast %swap3A_34 : vector<16xi32> to vector<16xi32>
    %swap3A_36 = vector.shape_cast %add3A_32 : vector<16xi32> to vector<16xi32>
    tpu.vector_store %arg5[%swap3A_33], %swap3A_36 {strides = array<i32>} : memref<640xi32, #tpu.memory_space<vmem>>, vector<16xi32>,
    %iota3A_37 = tpu.iota {dimensions = array<i32: 0>} : vector<16xi32>
    %add3A_38 = arith.constant 64 : i32
    %add3A_39 = arith.addi %mul3A_2, %add3A_38 : i32
    %add3A_40 = vector.broadcast %add3A_39 : i32 to vector<16xi32>
    %add3A_41 = arith.addi %iota3A_37, %add3A_40 : vector<16xi32>
    %swap3A_42 = arith.constant 64 : index
    %swap3A_43 = tpu.vector_load %arg5[%swap3A_42] {strides = array<i32>} : memref<640xi32, #tpu.memory_space<vmem>>, vector<16xi32>,
    %swap3A_44 = vector.shape_cast %swap3A_43 : vector<16xi32> to vector<16xi32>
    %swap3A_45 = vector.shape_cast %add3A_41 : vector<16xi32> to vector<16xi32>
    tpu.vector_store %arg5[%swap3A_42], %swap3A_45 {strides = array<i32>} : memref<640xi32, #tpu.memory_space<vmem>>, vector<16xi32>,
    %iota3A_46 = tpu.iota {dimensions = array<i32: 0>} : vector<16xi32>
    %add3A_47 = arith.constant 80 : i32
    %add3A_48 = arith.addi %mul3A_2, %add3A_47 : i32
    %add3A_49 = vector.broadcast %add3A_48 : i32 to vector<16xi32>
    %add3A_50 = arith.addi %iota3A_46, %add3A_49 : vector<16xi32>
    %swap3A_51 = arith.constant 80 : index
    %swap3A_52 = tpu.vector_load %arg5[%swap3A_51] {strides = array<i32>} : memref<640xi32, #tpu.memory_space<vmem>>, vector<16xi32>,
    %swap3A_53 = vector.shape_cast %swap3A_52 : vector<16xi32> to vector<16xi32>
    %swap3A_54 = vector.shape_cast %add3A_50 : vector<16xi32> to vector<16xi32>
    tpu.vector_store %arg5[%swap3A_51], %swap3A_54 {strides = array<i32>} : memref<640xi32, #tpu.memory_space<vmem>>, vector<16xi32>,
    %iota3A_55 = tpu.iota {dimensions = array<i32: 0>} : vector<16xi32>
    %add3A_56 = arith.constant 96 : i32
    %add3A_57 = arith.addi %mul3A_2, %add3A_56 : i32
    %add3A_58 = vector.broadcast %add3A_57 : i32 to vector<16xi32>
    %add3A_59 = arith.addi %iota3A_55, %add3A_58 : vector<16xi32>
    %swap3A_60 = arith.constant 96 : index
    %swap3A_61 = tpu.vector_load %arg5[%swap3A_60] {strides = array<i32>} : memref<640xi32, #tpu.memory_space<vmem>>, vector<16xi32>,
    %swap3A_62 = vector.shape_cast %swap3A_61 : vector<16xi32> to vector<16xi32>
    %swap3A_63 = vector.shape_cast %add3A_59 : vector<16xi32> to vector<16xi32>
    tpu.vector_store %arg5[%swap3A_60], %swap3A_63 {strides = array<i32>} : memref<640xi32, #tpu.memory_space<vmem>>, vector<16xi32>,
    %iota3A_64 = tpu.iota {dimensions = array<i32: 0>} : vector<16xi32>
    %add3A_65 = arith.constant 112 : i32
    %add3A_66 = arith.addi %mul3A_2, %add3A_65 : i32
    %add3A_67 = vector.broadcast %add3A_66 : i32 to vector<16xi32>
    %add3A_68 = arith.addi %iota3A_64, %add3A_67 : vector<16xi32>
    %swap3A_69 = arith.constant 112 : index
    %swap3A_70 = tpu.vector_load %arg5[%swap3A_69] {strides = array<i32>} : memref<640xi32, #tpu.memory_space<vmem>>, vector<16xi32>,
    %swap3A_71 = vector.shape_cast %swap3A_70 : vector<16xi32> to vector<16xi32>
    %swap3A_72 = vector.shape_cast %add3A_68 : vector<16xi32> to vector<16xi32>
    tpu.vector_store %arg5[%swap3A_69], %swap3A_72 {strides = array<i32>} : memref<640xi32, #tpu.memory_space<vmem>>, vector<16xi32>,
    %iota3A_73 = tpu.iota {dimensions = array<i32: 0>} : vector<16xi32>
    %add3A_74 = arith.constant 128 : i32
    %add3A_75 = arith.addi %mul3A_2, %add3A_74 : i32
    %add3A_76 = vector.broadcast %add3A_75 : i32 to vector<16xi32>
    %add3A_77 = arith.addi %iota3A_73, %add3A_76 : vector<16xi32>
    %swap3A_78 = arith.constant 128 : index
    %swap3A_79 = tpu.vector_load %arg5[%swap3A_78] {strides = array<i32>} : memref<640xi32, #tpu.memory_space<vmem>>, vector<16xi32>,
    %swap3A_80 = vector.shape_cast %swap3A_79 : vector<16xi32> to vector<16xi32>
    %swap3A_81 = vector.shape_cast %add3A_77 : vector<16xi32> to vector<16xi32>
    tpu.vector_store %arg5[%swap3A_78], %swap3A_81 {strides = array<i32>} : memref<640xi32, #tpu.memory_space<vmem>>, vector<16xi32>,
    %iota3A_82 = tpu.iota {dimensions = array<i32: 0>} : vector<16xi32>
    %add3A_83 = arith.constant 144 : i32
    %add3A_84 = arith.addi %mul3A_2, %add3A_83 : i32
    %add3A_85 = vector.broadcast %add3A_84 : i32 to vector<16xi32>
    %add3A_86 = arith.addi %iota3A_82, %add3A_85 : vector<16xi32>
    %swap3A_87 = arith.constant 144 : index
    %swap3A_88 = tpu.vector_load %arg5[%swap3A_87] {strides = array<i32>} : memref<640xi32, #tpu.memory_space<vmem>>, vector<16xi32>,
    %swap3A_89 = vector.shape_cast %swap3A_88 : vector<16xi32> to vector<16xi32>
    %swap3A_90 = vector.shape_cast %add3A_86 : vector<16xi32> to vector<16xi32>
    tpu.vector_store %arg5[%swap3A_87], %swap3A_90 {strides = array<i32>} : memref<640xi32, #tpu.memory_space<vmem>>, vector<16xi32>,
    %iota3A_91 = tpu.iota {dimensions = array<i32: 0>} : vector<16xi32>
    %add3A_92 = arith.constant 160 : i32
    %add3A_93 = arith.addi %mul3A_2, %add3A_92 : i32
    %add3A_94 = vector.broadcast %add3A_93 : i32 to vector<16xi32>
    %add3A_95 = arith.addi %iota3A_91, %add3A_94 : vector<16xi32>
    %swap3A_96 = arith.constant 160 : index
    %swap3A_97 = tpu.vector_load %arg5[%swap3A_96] {strides = array<i32>} : memref<640xi32, #tpu.memory_space<vmem>>, vector<16xi32>,
    %swap3A_98 = vector.shape_cast %swap3A_97 : vector<16xi32> to vector<16xi32>
    %swap3A_99 = vector.shape_cast %add3A_95 : vector<16xi32> to vector<16xi32>
    tpu.vector_store %arg5[%swap3A_96], %swap3A_99 {strides = array<i32>} : memref<640xi32, #tpu.memory_space<vmem>>, vector<16xi32>,
    %iota3A_100 = tpu.iota {dimensions = array<i32: 0>} : vector<16xi32>
    %add3A_101 = arith.constant 176 : i32
    %add3A_102 = arith.addi %mul3A_2, %add3A_101 : i32
    %add3A_103 = vector.broadcast %add3A_102 : i32 to vector<16xi32>
    %add3A_104 = arith.addi %iota3A_100, %add3A_103 : vector<16xi32>
    %swap3A_105 = arith.constant 176 : index
    %swap3A_106 = tpu.vector_load %arg5[%swap3A_105] {strides = array<i32>} : memref<640xi32, #tpu.memory_space<vmem>>, vector<16xi32>,
    %swap3A_107 = vector.shape_cast %swap3A_106 : vector<16xi32> to vector<16xi32>
    %swap3A_108 = vector.shape_cast %add3A_104 : vector<16xi32> to vector<16xi32>
    tpu.vector_store %arg5[%swap3A_105], %swap3A_108 {strides = array<i32>} : memref<640xi32, #tpu.memory_space<vmem>>, vector<16xi32>,
    %iota3A_109 = tpu.iota {dimensions = array<i32: 0>} : vector<16xi32>
    %add3A_110 = arith.constant 192 : i32
    %add3A_111 = arith.addi %mul3A_2, %add3A_110 : i32
    %add3A_112 = vector.broadcast %add3A_111 : i32 to vector<16xi32>
    %add3A_113 = arith.addi %iota3A_109, %add3A_112 : vector<16xi32>
    %swap3A_114 = arith.constant 192 : index
    %swap3A_115 = tpu.vector_load %arg5[%swap3A_114] {strides = array<i32>} : memref<640xi32, #tpu.memory_space<vmem>>, vector<16xi32>,
    %swap3A_116 = vector.shape_cast %swap3A_115 : vector<16xi32> to vector<16xi32>
    %swap3A_117 = vector.shape_cast %add3A_113 : vector<16xi32> to vector<16xi32>
    tpu.vector_store %arg5[%swap3A_114], %swap3A_117 {strides = array<i32>} : memref<640xi32, #tpu.memory_space<vmem>>, vector<16xi32>,
    %iota3A_118 = tpu.iota {dimensions = array<i32: 0>} : vector<16xi32>
    %add3A_119 = arith.constant 208 : i32
    %add3A_120 = arith.addi %mul3A_2, %add3A_119 : i32
    %add3A_121 = vector.broadcast %add3A_120 : i32 to vector<16xi32>
    %add3A_122 = arith.addi %iota3A_118, %add3A_121 : vector<16xi32>
    %swap3A_123 = arith.constant 208 : index
    %swap3A_124 = tpu.vector_load %arg5[%swap3A_123] {strides = array<i32>} : memref<640xi32, #tpu.memory_space<vmem>>, vector<16xi32>,
    %swap3A_125 = vector.shape_cast %swap3A_124 : vector<16xi32> to vector<16xi32>
    %swap3A_126 = vector.shape_cast %add3A_122 : vector<16xi32> to vector<16xi32>
    tpu.vector_store %arg5[%swap3A_123], %swap3A_126 {strides = array<i32>} : memref<640xi32, #tpu.memory_space<vmem>>, vector<16xi32>,
    %iota3A_127 = tpu.iota {dimensions = array<i32: 0>} : vector<16xi32>
    %add3A_128 = arith.constant 224 : i32
    %add3A_129 = arith.addi %mul3A_2, %add3A_128 : i32
    %add3A_130 = vector.broadcast %add3A_129 : i32 to vector<16xi32>
    %add3A_131 = arith.addi %iota3A_127, %add3A_130 : vector<16xi32>
    %swap3A_132 = arith.constant 224 : index
    %swap3A_133 = tpu.vector_load %arg5[%swap3A_132] {strides = array<i32>} : memref<640xi32, #tpu.memory_space<vmem>>, vector<16xi32>,
    %swap3A_134 = vector.shape_cast %swap3A_133 : vector<16xi32> to vector<16xi32>
    %swap3A_135 = vector.shape_cast %add3A_131 : vector<16xi32> to vector<16xi32>
    tpu.vector_store %arg5[%swap3A_132], %swap3A_135 {strides = array<i32>} : memref<640xi32, #tpu.memory_space<vmem>>, vector<16xi32>,
    %iota3A_136 = tpu.iota {dimensions = array<i32: 0>} : vector<16xi32>
    %add3A_137 = arith.constant 240 : i32
    %add3A_138 = arith.addi %mul3A_2, %add3A_137 : i32
    %add3A_139 = vector.broadcast %add3A_138 : i32 to vector<16xi32>
    %add3A_140 = arith.addi %iota3A_136, %add3A_139 : vector<16xi32>
    %swap3A_141 = arith.constant 240 : index
    %swap3A_142 = tpu.vector_load %arg5[%swap3A_141] {strides = array<i32>} : memref<640xi32, #tpu.memory_space<vmem>>, vector<16xi32>,
    %swap3A_143 = vector.shape_cast %swap3A_142 : vector<16xi32> to vector<16xi32>
    %swap3A_144 = vector.shape_cast %add3A_140 : vector<16xi32> to vector<16xi32>
    tpu.vector_store %arg5[%swap3A_141], %swap3A_144 {strides = array<i32>} : memref<640xi32, #tpu.memory_space<vmem>>, vector<16xi32>,
    %iota3A_145 = tpu.iota {dimensions = array<i32: 0>} : vector<16xi32>
    %add3A_146 = arith.constant 256 : i32
    %add3A_147 = arith.addi %mul3A_2, %add3A_146 : i32
    %add3A_148 = vector.broadcast %add3A_147 : i32 to vector<16xi32>
    %add3A_149 = arith.addi %iota3A_145, %add3A_148 : vector<16xi32>
    %swap3A_150 = arith.constant 256 : index
    %swap3A_151 = tpu.vector_load %arg5[%swap3A_150] {strides = array<i32>} : memref<640xi32, #tpu.memory_space<vmem>>, vector<16xi32>,
    %swap3A_152 = vector.shape_cast %swap3A_151 : vector<16xi32> to vector<16xi32>
    %swap3A_153 = vector.shape_cast %add3A_149 : vector<16xi32> to vector<16xi32>
    tpu.vector_store %arg5[%swap3A_150], %swap3A_153 {strides = array<i32>} : memref<640xi32, #tpu.memory_space<vmem>>, vector<16xi32>,
    %iota3A_154 = tpu.iota {dimensions = array<i32: 0>} : vector<16xi32>
    %add3A_155 = arith.constant 272 : i32
    %add3A_156 = arith.addi %mul3A_2, %add3A_155 : i32
    %add3A_157 = vector.broadcast %add3A_156 : i32 to vector<16xi32>
    %add3A_158 = arith.addi %iota3A_154, %add3A_157 : vector<16xi32>
    %swap3A_159 = arith.constant 272 : index
    %swap3A_160 = tpu.vector_load %arg5[%swap3A_159] {strides = array<i32>} : memref<640xi32, #tpu.memory_space<vmem>>, vector<16xi32>,
    %swap3A_161 = vector.shape_cast %swap3A_160 : vector<16xi32> to vector<16xi32>
    %swap3A_162 = vector.shape_cast %add3A_158 : vector<16xi32> to vector<16xi32>
    tpu.vector_store %arg5[%swap3A_159], %swap3A_162 {strides = array<i32>} : memref<640xi32, #tpu.memory_space<vmem>>, vector<16xi32>,
    %iota3A_163 = tpu.iota {dimensions = array<i32: 0>} : vector<16xi32>
    %add3A_164 = arith.constant 288 : i32
    %add3A_165 = arith.addi %mul3A_2, %add3A_164 : i32
    %add3A_166 = vector.broadcast %add3A_165 : i32 to vector<16xi32>
    %add3A_167 = arith.addi %iota3A_163, %add3A_166 : vector<16xi32>
    %swap3A_168 = arith.constant 288 : index
    %swap3A_169 = tpu.vector_load %arg5[%swap3A_168] {strides = array<i32>} : memref<640xi32, #tpu.memory_space<vmem>>, vector<16xi32>,
    %swap3A_170 = vector.shape_cast %swap3A_169 : vector<16xi32> to vector<16xi32>
    %swap3A_171 = vector.shape_cast %add3A_167 : vector<16xi32> to vector<16xi32>
    tpu.vector_store %arg5[%swap3A_168], %swap3A_171 {strides = array<i32>} : memref<640xi32, #tpu.memory_space<vmem>>, vector<16xi32>,
    %iota3A_172 = tpu.iota {dimensions = array<i32: 0>} : vector<16xi32>
    %add3A_173 = arith.constant 304 : i32
    %add3A_174 = arith.addi %mul3A_2, %add3A_173 : i32
    %add3A_175 = vector.broadcast %add3A_174 : i32 to vector<16xi32>
    %add3A_176 = arith.addi %iota3A_172, %add3A_175 : vector<16xi32>
    %swap3A_177 = arith.constant 304 : index
    %swap3A_178 = tpu.vector_load %arg5[%swap3A_177] {strides = array<i32>} : memref<640xi32, #tpu.memory_space<vmem>>, vector<16xi32>,
    %swap3A_179 = vector.shape_cast %swap3A_178 : vector<16xi32> to vector<16xi32>
    %swap3A_180 = vector.shape_cast %add3A_176 : vector<16xi32> to vector<16xi32>
    tpu.vector_store %arg5[%swap3A_177], %swap3A_180 {strides = array<i32>} : memref<640xi32, #tpu.memory_space<vmem>>, vector<16xi32>,
    %iota3A_181 = tpu.iota {dimensions = array<i32: 0>} : vector<16xi32>
    %add3A_182 = arith.constant 320 : i32
    %add3A_183 = arith.addi %mul3A_2, %add3A_182 : i32
    %add3A_184 = vector.broadcast %add3A_183 : i32 to vector<16xi32>
    %add3A_185 = arith.addi %iota3A_181, %add3A_184 : vector<16xi32>
    %swap3A_186 = arith.constant 320 : index
    %swap3A_187 = tpu.vector_load %arg5[%swap3A_186] {strides = array<i32>} : memref<640xi32, #tpu.memory_space<vmem>>, vector<16xi32>,
    %swap3A_188 = vector.shape_cast %swap3A_187 : vector<16xi32> to vector<16xi32>
    %swap3A_189 = vector.shape_cast %add3A_185 : vector<16xi32> to vector<16xi32>
    tpu.vector_store %arg5[%swap3A_186], %swap3A_189 {strides = array<i32>} : memref<640xi32, #tpu.memory_space<vmem>>, vector<16xi32>,
    %iota3A_190 = tpu.iota {dimensions = array<i32: 0>} : vector<16xi32>
    %add3A_191 = arith.constant 336 : i32
    %add3A_192 = arith.addi %mul3A_2, %add3A_191 : i32
    %add3A_193 = vector.broadcast %add3A_192 : i32 to vector<16xi32>
    %add3A_194 = arith.addi %iota3A_190, %add3A_193 : vector<16xi32>
    %swap3A_195 = arith.constant 336 : index
    %swap3A_196 = tpu.vector_load %arg5[%swap3A_195] {strides = array<i32>} : memref<640xi32, #tpu.memory_space<vmem>>, vector<16xi32>,
    %swap3A_197 = vector.shape_cast %swap3A_196 : vector<16xi32> to vector<16xi32>
    %swap3A_198 = vector.shape_cast %add3A_194 : vector<16xi32> to vector<16xi32>
    tpu.vector_store %arg5[%swap3A_195], %swap3A_198 {strides = array<i32>} : memref<640xi32, #tpu.memory_space<vmem>>, vector<16xi32>,
    %iota3A_199 = tpu.iota {dimensions = array<i32: 0>} : vector<16xi32>
    %add3A_200 = arith.constant 352 : i32
    %add3A_201 = arith.addi %mul3A_2, %add3A_200 : i32
    %add3A_202 = vector.broadcast %add3A_201 : i32 to vector<16xi32>
    %add3A_203 = arith.addi %iota3A_199, %add3A_202 : vector<16xi32>
    %swap3A_204 = arith.constant 352 : index
    %swap3A_205 = tpu.vector_load %arg5[%swap3A_204] {strides = array<i32>} : memref<640xi32, #tpu.memory_space<vmem>>, vector<16xi32>,
    %swap3A_206 = vector.shape_cast %swap3A_205 : vector<16xi32> to vector<16xi32>
    %swap3A_207 = vector.shape_cast %add3A_203 : vector<16xi32> to vector<16xi32>
    tpu.vector_store %arg5[%swap3A_204], %swap3A_207 {strides = array<i32>} : memref<640xi32, #tpu.memory_space<vmem>>, vector<16xi32>,
    %iota3A_208 = tpu.iota {dimensions = array<i32: 0>} : vector<16xi32>
    %add3A_209 = arith.constant 368 : i32
    %add3A_210 = arith.addi %mul3A_2, %add3A_209 : i32
    %add3A_211 = vector.broadcast %add3A_210 : i32 to vector<16xi32>
    %add3A_212 = arith.addi %iota3A_208, %add3A_211 : vector<16xi32>
    %swap3A_213 = arith.constant 368 : index
    %swap3A_214 = tpu.vector_load %arg5[%swap3A_213] {strides = array<i32>} : memref<640xi32, #tpu.memory_space<vmem>>, vector<16xi32>,
    %swap3A_215 = vector.shape_cast %swap3A_214 : vector<16xi32> to vector<16xi32>
    %swap3A_216 = vector.shape_cast %add3A_212 : vector<16xi32> to vector<16xi32>
    tpu.vector_store %arg5[%swap3A_213], %swap3A_216 {strides = array<i32>} : memref<640xi32, #tpu.memory_space<vmem>>, vector<16xi32>,
    %iota3A_217 = tpu.iota {dimensions = array<i32: 0>} : vector<16xi32>
    %add3A_218 = arith.constant 384 : i32
    %add3A_219 = arith.addi %mul3A_2, %add3A_218 : i32
    %add3A_220 = vector.broadcast %add3A_219 : i32 to vector<16xi32>
    %add3A_221 = arith.addi %iota3A_217, %add3A_220 : vector<16xi32>
    %swap3A_222 = arith.constant 384 : index
    %swap3A_223 = tpu.vector_load %arg5[%swap3A_222] {strides = array<i32>} : memref<640xi32, #tpu.memory_space<vmem>>, vector<16xi32>,
    %swap3A_224 = vector.shape_cast %swap3A_223 : vector<16xi32> to vector<16xi32>
    %swap3A_225 = vector.shape_cast %add3A_221 : vector<16xi32> to vector<16xi32>
    tpu.vector_store %arg5[%swap3A_222], %swap3A_225 {strides = array<i32>} : memref<640xi32, #tpu.memory_space<vmem>>, vector<16xi32>,
    %iota3A_226 = tpu.iota {dimensions = array<i32: 0>} : vector<16xi32>
    %add3A_227 = arith.constant 400 : i32
    %add3A_228 = arith.addi %mul3A_2, %add3A_227 : i32
    %add3A_229 = vector.broadcast %add3A_228 : i32 to vector<16xi32>
    %add3A_230 = arith.addi %iota3A_226, %add3A_229 : vector<16xi32>
    %swap3A_231 = arith.constant 400 : index
    %swap3A_232 = tpu.vector_load %arg5[%swap3A_231] {strides = array<i32>} : memref<640xi32, #tpu.memory_space<vmem>>, vector<16xi32>,
    %swap3A_233 = vector.shape_cast %swap3A_232 : vector<16xi32> to vector<16xi32>
    %swap3A_234 = vector.shape_cast %add3A_230 : vector<16xi32> to vector<16xi32>
    tpu.vector_store %arg5[%swap3A_231], %swap3A_234 {strides = array<i32>} : memref<640xi32, #tpu.memory_space<vmem>>, vector<16xi32>,
    %iota3A_235 = tpu.iota {dimensions = array<i32: 0>} : vector<16xi32>
    %add3A_236 = arith.constant 416 : i32
    %add3A_237 = arith.addi %mul3A_2, %add3A_236 : i32
    %add3A_238 = vector.broadcast %add3A_237 : i32 to vector<16xi32>
    %add3A_239 = arith.addi %iota3A_235, %add3A_238 : vector<16xi32>
    %swap3A_240 = arith.constant 416 : index
    %swap3A_241 = tpu.vector_load %arg5[%swap3A_240] {strides = array<i32>} : memref<640xi32, #tpu.memory_space<vmem>>, vector<16xi32>,
    %swap3A_242 = vector.shape_cast %swap3A_241 : vector<16xi32> to vector<16xi32>
    %swap3A_243 = vector.shape_cast %add3A_239 : vector<16xi32> to vector<16xi32>
    tpu.vector_store %arg5[%swap3A_240], %swap3A_243 {strides = array<i32>} : memref<640xi32, #tpu.memory_space<vmem>>, vector<16xi32>,
    %iota3A_244 = tpu.iota {dimensions = array<i32: 0>} : vector<16xi32>
    %add3A_245 = arith.constant 432 : i32
    %add3A_246 = arith.addi %mul3A_2, %add3A_245 : i32
    %add3A_247 = vector.broadcast %add3A_246 : i32 to vector<16xi32>
    %add3A_248 = arith.addi %iota3A_244, %add3A_247 : vector<16xi32>
    %swap3A_249 = arith.constant 432 : index
    %swap3A_250 = tpu.vector_load %arg5[%swap3A_249] {strides = array<i32>} : memref<640xi32, #tpu.memory_space<vmem>>, vector<16xi32>,
    %swap3A_251 = vector.shape_cast %swap3A_250 : vector<16xi32> to vector<16xi32>
    %swap3A_252 = vector.shape_cast %add3A_248 : vector<16xi32> to vector<16xi32>
    tpu.vector_store %arg5[%swap3A_249], %swap3A_252 {strides = array<i32>} : memref<640xi32, #tpu.memory_space<vmem>>, vector<16xi32>,
    %iota3A_253 = tpu.iota {dimensions = array<i32: 0>} : vector<16xi32>
    %add3A_254 = arith.constant 448 : i32
    %add3A_255 = arith.addi %mul3A_2, %add3A_254 : i32
    %add3A_256 = vector.broadcast %add3A_255 : i32 to vector<16xi32>
    %add3A_257 = arith.addi %iota3A_253, %add3A_256 : vector<16xi32>
    %swap3A_258 = arith.constant 448 : index
    %swap3A_259 = tpu.vector_load %arg5[%swap3A_258] {strides = array<i32>} : memref<640xi32, #tpu.memory_space<vmem>>, vector<16xi32>,
    %swap3A_260 = vector.shape_cast %swap3A_259 : vector<16xi32> to vector<16xi32>
    %swap3A_261 = vector.shape_cast %add3A_257 : vector<16xi32> to vector<16xi32>
    tpu.vector_store %arg5[%swap3A_258], %swap3A_261 {strides = array<i32>} : memref<640xi32, #tpu.memory_space<vmem>>, vector<16xi32>,
    %iota3A_262 = tpu.iota {dimensions = array<i32: 0>} : vector<16xi32>
    %add3A_263 = arith.constant 464 : i32
    %add3A_264 = arith.addi %mul3A_2, %add3A_263 : i32
    %add3A_265 = vector.broadcast %add3A_264 : i32 to vector<16xi32>
    %add3A_266 = arith.addi %iota3A_262, %add3A_265 : vector<16xi32>
    %swap3A_267 = arith.constant 464 : index
    %swap3A_268 = tpu.vector_load %arg5[%swap3A_267] {strides = array<i32>} : memref<640xi32, #tpu.memory_space<vmem>>, vector<16xi32>,
    %swap3A_269 = vector.shape_cast %swap3A_268 : vector<16xi32> to vector<16xi32>
    %swap3A_270 = vector.shape_cast %add3A_266 : vector<16xi32> to vector<16xi32>
    tpu.vector_store %arg5[%swap3A_267], %swap3A_270 {strides = array<i32>} : memref<640xi32, #tpu.memory_space<vmem>>, vector<16xi32>,
    %iota3A_271 = tpu.iota {dimensions = array<i32: 0>} : vector<16xi32>
    %add3A_272 = arith.constant 480 : i32
    %add3A_273 = arith.addi %mul3A_2, %add3A_272 : i32
    %add3A_274 = vector.broadcast %add3A_273 : i32 to vector<16xi32>
    %add3A_275 = arith.addi %iota3A_271, %add3A_274 : vector<16xi32>
    %swap3A_276 = arith.constant 480 : index
    %swap3A_277 = tpu.vector_load %arg5[%swap3A_276] {strides = array<i32>} : memref<640xi32, #tpu.memory_space<vmem>>, vector<16xi32>,
    %swap3A_278 = vector.shape_cast %swap3A_277 : vector<16xi32> to vector<16xi32>
    %swap3A_279 = vector.shape_cast %add3A_275 : vector<16xi32> to vector<16xi32>
    tpu.vector_store %arg5[%swap3A_276], %swap3A_279 {strides = array<i32>} : memref<640xi32, #tpu.memory_space<vmem>>, vector<16xi32>,
    %iota3A_280 = tpu.iota {dimensions = array<i32: 0>} : vector<16xi32>
    %add3A_281 = arith.constant 496 : i32
    %add3A_282 = arith.addi %mul3A_2, %add3A_281 : i32
    %add3A_283 = vector.broadcast %add3A_282 : i32 to vector<16xi32>
    %add3A_284 = arith.addi %iota3A_280, %add3A_283 : vector<16xi32>
    %swap3A_285 = arith.constant 496 : index
    %swap3A_286 = tpu.vector_load %arg5[%swap3A_285] {strides = array<i32>} : memref<640xi32, #tpu.memory_space<vmem>>, vector<16xi32>,
    %swap3A_287 = vector.shape_cast %swap3A_286 : vector<16xi32> to vector<16xi32>
    %swap3A_288 = vector.shape_cast %add3A_284 : vector<16xi32> to vector<16xi32>
    tpu.vector_store %arg5[%swap3A_285], %swap3A_288 {strides = array<i32>} : memref<640xi32, #tpu.memory_space<vmem>>, vector<16xi32>,
    %iota3A_289 = tpu.iota {dimensions = array<i32: 0>} : vector<16xi32>
    %add3A_290 = arith.constant 512 : i32
    %add3A_291 = arith.addi %mul3A_2, %add3A_290 : i32
    %add3A_292 = vector.broadcast %add3A_291 : i32 to vector<16xi32>
    %add3A_293 = arith.addi %iota3A_289, %add3A_292 : vector<16xi32>
    %swap3A_294 = arith.constant 512 : index
    %swap3A_295 = tpu.vector_load %arg5[%swap3A_294] {strides = array<i32>} : memref<640xi32, #tpu.memory_space<vmem>>, vector<16xi32>,
    %swap3A_296 = vector.shape_cast %swap3A_295 : vector<16xi32> to vector<16xi32>
    %swap3A_297 = vector.shape_cast %add3A_293 : vector<16xi32> to vector<16xi32>
    tpu.vector_store %arg5[%swap3A_294], %swap3A_297 {strides = array<i32>} : memref<640xi32, #tpu.memory_space<vmem>>, vector<16xi32>,
    %iota3A_298 = tpu.iota {dimensions = array<i32: 0>} : vector<16xi32>
    %add3A_299 = arith.constant 528 : i32
    %add3A_300 = arith.addi %mul3A_2, %add3A_299 : i32
    %add3A_301 = vector.broadcast %add3A_300 : i32 to vector<16xi32>
    %add3A_302 = arith.addi %iota3A_298, %add3A_301 : vector<16xi32>
    %swap3A_303 = arith.constant 528 : index
    %swap3A_304 = tpu.vector_load %arg5[%swap3A_303] {strides = array<i32>} : memref<640xi32, #tpu.memory_space<vmem>>, vector<16xi32>,
    %swap3A_305 = vector.shape_cast %swap3A_304 : vector<16xi32> to vector<16xi32>
    %swap3A_306 = vector.shape_cast %add3A_302 : vector<16xi32> to vector<16xi32>
    tpu.vector_store %arg5[%swap3A_303], %swap3A_306 {strides = array<i32>} : memref<640xi32, #tpu.memory_space<vmem>>, vector<16xi32>,
    %iota3A_307 = tpu.iota {dimensions = array<i32: 0>} : vector<16xi32>
    %add3A_308 = arith.constant 544 : i32
    %add3A_309 = arith.addi %mul3A_2, %add3A_308 : i32
    %add3A_310 = vector.broadcast %add3A_309 : i32 to vector<16xi32>
    %add3A_311 = arith.addi %iota3A_307, %add3A_310 : vector<16xi32>
    %swap3A_312 = arith.constant 544 : index
    %swap3A_313 = tpu.vector_load %arg5[%swap3A_312] {strides = array<i32>} : memref<640xi32, #tpu.memory_space<vmem>>, vector<16xi32>,
    %swap3A_314 = vector.shape_cast %swap3A_313 : vector<16xi32> to vector<16xi32>
    %swap3A_315 = vector.shape_cast %add3A_311 : vector<16xi32> to vector<16xi32>
    tpu.vector_store %arg5[%swap3A_312], %swap3A_315 {strides = array<i32>} : memref<640xi32, #tpu.memory_space<vmem>>, vector<16xi32>,
    %iota3A_316 = tpu.iota {dimensions = array<i32: 0>} : vector<16xi32>
    %add3A_317 = arith.constant 560 : i32
    %add3A_318 = arith.addi %mul3A_2, %add3A_317 : i32
    %add3A_319 = vector.broadcast %add3A_318 : i32 to vector<16xi32>
    %add3A_320 = arith.addi %iota3A_316, %add3A_319 : vector<16xi32>
    %swap3A_321 = arith.constant 560 : index
    %swap3A_322 = tpu.vector_load %arg5[%swap3A_321] {strides = array<i32>} : memref<640xi32, #tpu.memory_space<vmem>>, vector<16xi32>,
    %swap3A_323 = vector.shape_cast %swap3A_322 : vector<16xi32> to vector<16xi32>
    %swap3A_324 = vector.shape_cast %add3A_320 : vector<16xi32> to vector<16xi32>
    tpu.vector_store %arg5[%swap3A_321], %swap3A_324 {strides = array<i32>} : memref<640xi32, #tpu.memory_space<vmem>>, vector<16xi32>,
    %iota3A_325 = tpu.iota {dimensions = array<i32: 0>} : vector<16xi32>
    %add3A_326 = arith.constant 576 : i32
    %add3A_327 = arith.addi %mul3A_2, %add3A_326 : i32
    %add3A_328 = vector.broadcast %add3A_327 : i32 to vector<16xi32>
    %add3A_329 = arith.addi %iota3A_325, %add3A_328 : vector<16xi32>
    %swap3A_330 = arith.constant 576 : index
    %swap3A_331 = tpu.vector_load %arg5[%swap3A_330] {strides = array<i32>} : memref<640xi32, #tpu.memory_space<vmem>>, vector<16xi32>,
    %swap3A_332 = vector.shape_cast %swap3A_331 : vector<16xi32> to vector<16xi32>
    %swap3A_333 = vector.shape_cast %add3A_329 : vector<16xi32> to vector<16xi32>
    tpu.vector_store %arg5[%swap3A_330], %swap3A_333 {strides = array<i32>} : memref<640xi32, #tpu.memory_space<vmem>>, vector<16xi32>,
    %iota3A_334 = tpu.iota {dimensions = array<i32: 0>} : vector<16xi32>
    %add3A_335 = arith.constant 592 : i32
    %add3A_336 = arith.addi %mul3A_2, %add3A_335 : i32
    %add3A_337 = vector.broadcast %add3A_336 : i32 to vector<16xi32>
    %add3A_338 = arith.addi %iota3A_334, %add3A_337 : vector<16xi32>
    %swap3A_339 = arith.constant 592 : index
    %swap3A_340 = tpu.vector_load %arg5[%swap3A_339] {strides = array<i32>} : memref<640xi32, #tpu.memory_space<vmem>>, vector<16xi32>,
    %swap3A_341 = vector.shape_cast %swap3A_340 : vector<16xi32> to vector<16xi32>
    %swap3A_342 = vector.shape_cast %add3A_338 : vector<16xi32> to vector<16xi32>
    tpu.vector_store %arg5[%swap3A_339], %swap3A_342 {strides = array<i32>} : memref<640xi32, #tpu.memory_space<vmem>>, vector<16xi32>,
    %iota3A_343 = tpu.iota {dimensions = array<i32: 0>} : vector<16xi32>
    %add3A_344 = arith.constant 608 : i32
    %add3A_345 = arith.addi %mul3A_2, %add3A_344 : i32
    %add3A_346 = vector.broadcast %add3A_345 : i32 to vector<16xi32>
    %add3A_347 = arith.addi %iota3A_343, %add3A_346 : vector<16xi32>
    %swap3A_348 = arith.constant 608 : index
    %swap3A_349 = tpu.vector_load %arg5[%swap3A_348] {strides = array<i32>} : memref<640xi32, #tpu.memory_space<vmem>>, vector<16xi32>,
    %swap3A_350 = vector.shape_cast %swap3A_349 : vector<16xi32> to vector<16xi32>
    %swap3A_351 = vector.shape_cast %add3A_347 : vector<16xi32> to vector<16xi32>
    tpu.vector_store %arg5[%swap3A_348], %swap3A_351 {strides = array<i32>} : memref<640xi32, #tpu.memory_space<vmem>>, vector<16xi32>,
    %iota3A_352 = tpu.iota {dimensions = array<i32: 0>} : vector<16xi32>
    %add3A_353 = arith.constant 624 : i32
    %add3A_354 = arith.addi %mul3A_2, %add3A_353 : i32
    %add3A_355 = vector.broadcast %add3A_354 : i32 to vector<16xi32>
    %add3A_356 = arith.addi %iota3A_352, %add3A_355 : vector<16xi32>
    %swap3A_357 = arith.constant 624 : index
    %swap3A_358 = tpu.vector_load %arg5[%swap3A_357] {strides = array<i32>} : memref<640xi32, #tpu.memory_space<vmem>>, vector<16xi32>,
    %swap3A_359 = vector.shape_cast %swap3A_358 : vector<16xi32> to vector<16xi32>
    %swap3A_360 = vector.shape_cast %add3A_356 : vector<16xi32> to vector<16xi32>
    tpu.vector_store %arg5[%swap3A_357], %swap3A_360 {strides = array<i32>} : memref<640xi32, #tpu.memory_space<vmem>>, vector<16xi32>,
    %dma_start3A = arith.constant 0 : i32
    %dma_start3A_361 = tpu.memref_slice %arg3[%dma_start3A] : memref<21536xi32, #tpu.memory_space<hbm>> -> memref<21536xi32, #tpu.memory_space<hbm>>
    tpu.enqueue_indirect_dma source(%arg5 : memref<640xi32, #tpu.memory_space<vmem>>) target(%dma_start3A_361 : memref<21536xi32, #tpu.memory_space<hbm>>) offsets(%arg4 : memref<640xi32, #tpu.memory_space<vmem>>) semaphore(%arg8 : memref<!tpu.dma_semaphore, #tpu.memory_space<semaphore_mem>>)
    %dma_wait3A = arith.constant 0 : i32
    %dma_wait3A_362 = tpu.memref_slice %arg3[%dma_wait3A] : memref<21536xi32, #tpu.memory_space<hbm>> -> memref<21536xi32, #tpu.memory_space<hbm>>
    tpu.wait_indirect_dma semaphore(%arg8 : memref<!tpu.dma_semaphore, #tpu.memory_space<semaphore_mem>>) src(%arg5 : memref<640xi32, #tpu.memory_space<vmem>>) dst(%dma_wait3A_362 : memref<21536xi32, #tpu.memory_space<hbm>>)
    %eq3A = arith.constant 0 : i32
    %eq3A_363 = arith.cmpi eq, %add3A, %eq3A : i32
    %convert_element_type3A = arith.extui %eq3A_363 : i1 to i32
    %cond3A = arith.constant 0 : i32
    %cond3A_364 = arith.cmpi ne, %convert_element_type3A, %cond3A : i32
    scf.if %cond3A_364 {
      %iota3A_365 = tpu.iota {dimensions = array<i32: 0>} : vector<16xi32>
      %add3A_366 = arith.constant 1000 : i32
      %add3A_367 = vector.broadcast %add3A_366 : i32 to vector<16xi32>
      %add3A_368 = arith.addi %iota3A_365, %add3A_367 : vector<16xi32>
      %swap3A_369 = arith.constant 0 : index
      %swap3A_370 = tpu.vector_load %arg6[%swap3A_369] {strides = array<i32>} : memref<32xi32, #tpu.memory_space<vmem>>, vector<16xi32>,
      %swap3A_371 = vector.shape_cast %swap3A_370 : vector<16xi32> to vector<16xi32>
      %swap3A_372 = vector.shape_cast %add3A_368 : vector<16xi32> to vector<16xi32>
      tpu.vector_store %arg6[%swap3A_369], %swap3A_372 {strides = array<i32>} : memref<32xi32, #tpu.memory_space<vmem>>, vector<16xi32>,
      %iota3A_373 = tpu.iota {dimensions = array<i32: 0>} : vector<16xi32>
      %add3A_374 = arith.constant 1016 : i32
      %add3A_375 = vector.broadcast %add3A_374 : i32 to vector<16xi32>
      %add3A_376 = arith.addi %iota3A_373, %add3A_375 : vector<16xi32>
      %swap3A_377 = arith.constant 16 : index
      %swap3A_378 = tpu.vector_load %arg6[%swap3A_377] {strides = array<i32>} : memref<32xi32, #tpu.memory_space<vmem>>, vector<16xi32>,
      %swap3A_379 = vector.shape_cast %swap3A_378 : vector<16xi32> to vector<16xi32>
      %swap3A_380 = vector.shape_cast %add3A_376 : vector<16xi32> to vector<16xi32>
      tpu.vector_store %arg6[%swap3A_377], %swap3A_380 {strides = array<i32>} : memref<32xi32, #tpu.memory_space<vmem>>, vector<16xi32>,
      %broadcast_in_dim3A = arith.constant 0 : i32
      %broadcast_in_dim3A_381 = vector.broadcast %broadcast_in_dim3A : i32 to vector<16xi32>
      %swap3A_382 = arith.constant 0 : index
      %swap3A_383 = tpu.vector_load %arg7[%swap3A_382] {strides = array<i32>} : memref<32xi32, #tpu.memory_space<vmem>>, vector<16xi32>,
      %swap3A_384 = vector.shape_cast %swap3A_383 : vector<16xi32> to vector<16xi32>
      %swap3A_385 = vector.shape_cast %broadcast_in_dim3A_381 : vector<16xi32> to vector<16xi32>
      tpu.vector_store %arg7[%swap3A_382], %swap3A_385 {strides = array<i32>} : memref<32xi32, #tpu.memory_space<vmem>>, vector<16xi32>,
      %broadcast_in_dim3A_386 = arith.constant 0 : i32
      %broadcast_in_dim3A_387 = vector.broadcast %broadcast_in_dim3A_386 : i32 to vector<16xi32>
      %swap3A_388 = arith.constant 16 : index
      %swap3A_389 = tpu.vector_load %arg7[%swap3A_388] {strides = array<i32>} : memref<32xi32, #tpu.memory_space<vmem>>, vector<16xi32>,
      %swap3A_390 = vector.shape_cast %swap3A_389 : vector<16xi32> to vector<16xi32>
      %swap3A_391 = vector.shape_cast %broadcast_in_dim3A_387 : vector<16xi32> to vector<16xi32>
      tpu.vector_store %arg7[%swap3A_388], %swap3A_391 {strides = array<i32>} : memref<32xi32, #tpu.memory_space<vmem>>, vector<16xi32>,
      %dma_start3A_392 = arith.constant 0 : i32
      %dma_start3A_393 = tpu.memref_slice %arg3[%dma_start3A_392] : memref<21536xi32, #tpu.memory_space<hbm>> -> memref<21536xi32, #tpu.memory_space<hbm>>
      tpu.enqueue_indirect_dma source(%arg7 : memref<32xi32, #tpu.memory_space<vmem>>) target(%dma_start3A_393 : memref<21536xi32, #tpu.memory_space<hbm>>) offsets(%arg6 : memref<32xi32, #tpu.memory_space<vmem>>) semaphore(%arg8 : memref<!tpu.dma_semaphore, #tpu.memory_space<semaphore_mem>>)
      %dma_wait3A_394 = arith.constant 0 : i32
      %dma_wait3A_395 = tpu.memref_slice %arg3[%dma_wait3A_394] : memref<21536xi32, #tpu.memory_space<hbm>> -> memref<21536xi32, #tpu.memory_space<hbm>>
      tpu.wait_indirect_dma semaphore(%arg8 : memref<!tpu.dma_semaphore, #tpu.memory_space<semaphore_mem>>) src(%arg7 : memref<32xi32, #tpu.memory_space<vmem>>) dst(%dma_wait3A_395 : memref<21536xi32, #tpu.memory_space<hbm>>)
    } else {
    }
    return
  }
}

#map = affine_map<(d0, d1) -> (0)>
#map1 = affine_map<(d0, d1) -> (0, 0)>
module attributes {stable_mosaic.version = 14 : i64} {
  func.func @_gather_body(%arg0: i32, %arg1: i32, %arg2: memref<21536xi32, #tpu.memory_space<hbm>>, %arg3: memref<20480x8xf32, #tpu.memory_space<hbm>>, %arg4: memref<20480xi32, #tpu.memory_space<hbm>>, %arg5: memref<1024x8xf32, #tpu.memory_space<hbm>>, %arg6: memref<1024xi32, #tpu.memory_space<hbm>>, %arg7: memref<32xi32, #tpu.memory_space<vmem>>, %arg8: memref<32x8xf32, #tpu.memory_space<vmem>>, %arg9: memref<32xi32, #tpu.memory_space<vmem>>, %arg10: memref<!tpu.dma_semaphore, #tpu.memory_space<semaphore_mem>>, %arg11: memref<!tpu.dma_semaphore, #tpu.memory_space<semaphore_mem>>) attributes {dimension_semantics = [#tpu.dimension_semantics<core_parallel>, #tpu.dimension_semantics<subcore_parallel>], iteration_bounds = array<i64: 2, 16>, scalar_prefetch = 0 : i64, scratch_operands = 5 : i64, tpu.core_type = #tpu.core_type<sc_vector_subcore>, window_params = [{transform_indices = #map}, {transform_indices = #map1}, {transform_indices = #map}, {transform_indices = #map1}, {transform_indices = #map}]} {
    %mul3A = arith.constant 2 : i32
    %mul3A_0 = arith.muli %arg1, %mul3A : i32
    %add3A = arith.addi %mul3A_0, %arg0 : i32
    %mul3A_1 = arith.constant 32 : i32
    %mul3A_2 = arith.muli %add3A, %mul3A_1 : i32
    "tpu.region"() ({
      %run_scoped3A = tpu.sem_alloc : memref<!tpu.dma_semaphore, #tpu.memory_space<semaphore_mem>>
      %dma_start3A_11 = tpu.memref_slice %arg2[%mul3A_2] : memref<21536xi32, #tpu.memory_space<hbm>> -> memref<32xi32, #tpu.memory_space<hbm>>
      %dma_start3A_12 = tpu.memref_slice %arg2[%mul3A_2] : memref<21536xi32, #tpu.memory_space<hbm>> -> memref<32xi32, #tpu.memory_space<hbm>>
      tpu.enqueue_dma source(%dma_start3A_12 : memref<32xi32, #tpu.memory_space<hbm>>) target(%arg7 : memref<32xi32, #tpu.memory_space<vmem>>) target_semaphore(%run_scoped3A : memref<!tpu.dma_semaphore, #tpu.memory_space<semaphore_mem>>)
      %dma_wait3A_13 = tpu.memref_slice %arg2[%mul3A_2] : memref<21536xi32, #tpu.memory_space<hbm>> -> memref<32xi32, #tpu.memory_space<hbm>>
      %dma_wait3A_14 = tpu.memref_slice %arg2[%mul3A_2] : memref<21536xi32, #tpu.memory_space<hbm>> -> memref<32xi32, #tpu.memory_space<hbm>>
      tpu.wait_dma2 semaphore(%run_scoped3A : memref<!tpu.dma_semaphore, #tpu.memory_space<semaphore_mem>>) src(%dma_wait3A_14 : memref<32xi32, #tpu.memory_space<hbm>>) dst(%arg7 : memref<32xi32, #tpu.memory_space<vmem>>)
      tpu.yield
    }) : () -> ()
    %dma_start3A = arith.constant 0 : i32
    %dma_start3A_3 = arith.constant 0 : i32
    %dma_start3A_4 = tpu.memref_slice %arg3[%dma_start3A, %dma_start3A_3] : memref<20480x8xf32, #tpu.memory_space<hbm>> -> memref<20480x8xf32, #tpu.memory_space<hbm>>
    tpu.enqueue_indirect_dma source(%dma_start3A_4 : memref<20480x8xf32, #tpu.memory_space<hbm>>) target(%arg8 : memref<32x8xf32, #tpu.memory_space<vmem>>) offsets(%arg7 : memref<32xi32, #tpu.memory_space<vmem>>) semaphore(%arg10 : memref<!tpu.dma_semaphore, #tpu.memory_space<semaphore_mem>>)
    %dma_start3A_5 = arith.constant 0 : i32
    %dma_start3A_6 = tpu.memref_slice %arg4[%dma_start3A_5] : memref<20480xi32, #tpu.memory_space<hbm>> -> memref<20480xi32, #tpu.memory_space<hbm>>
    tpu.enqueue_indirect_dma source(%dma_start3A_6 : memref<20480xi32, #tpu.memory_space<hbm>>) target(%arg9 : memref<32xi32, #tpu.memory_space<vmem>>) offsets(%arg7 : memref<32xi32, #tpu.memory_space<vmem>>) semaphore(%arg11 : memref<!tpu.dma_semaphore, #tpu.memory_space<semaphore_mem>>)
    %dma_wait3A = arith.constant 0 : i32
    %dma_wait3A_7 = arith.constant 0 : i32
    %dma_wait3A_8 = tpu.memref_slice %arg3[%dma_wait3A, %dma_wait3A_7] : memref<20480x8xf32, #tpu.memory_space<hbm>> -> memref<20480x8xf32, #tpu.memory_space<hbm>>
    tpu.wait_indirect_dma semaphore(%arg10 : memref<!tpu.dma_semaphore, #tpu.memory_space<semaphore_mem>>) src(%dma_wait3A_8 : memref<20480x8xf32, #tpu.memory_space<hbm>>) dst(%arg8 : memref<32x8xf32, #tpu.memory_space<vmem>>)
    %dma_wait3A_9 = arith.constant 0 : i32
    %dma_wait3A_10 = tpu.memref_slice %arg4[%dma_wait3A_9] : memref<20480xi32, #tpu.memory_space<hbm>> -> memref<20480xi32, #tpu.memory_space<hbm>>
    tpu.wait_indirect_dma semaphore(%arg11 : memref<!tpu.dma_semaphore, #tpu.memory_space<semaphore_mem>>) src(%dma_wait3A_10 : memref<20480xi32, #tpu.memory_space<hbm>>) dst(%arg9 : memref<32xi32, #tpu.memory_space<vmem>>)
    "tpu.region"() ({
      %run_scoped3A = tpu.sem_alloc : memref<!tpu.dma_semaphore, #tpu.memory_space<semaphore_mem>>
      %dma_start3A_11 = arith.constant 0 : i32
      %dma_start3A_12 = tpu.memref_slice %arg5[%mul3A_2, %dma_start3A_11] : memref<1024x8xf32, #tpu.memory_space<hbm>> -> memref<32x8xf32, #tpu.memory_space<hbm>>
      %dma_start3A_13 = arith.constant 0 : i32
      %dma_start3A_14 = tpu.memref_slice %arg5[%mul3A_2, %dma_start3A_13] : memref<1024x8xf32, #tpu.memory_space<hbm>> -> memref<32x8xf32, #tpu.memory_space<hbm>>
      tpu.enqueue_dma source(%arg8 : memref<32x8xf32, #tpu.memory_space<vmem>>) target(%dma_start3A_14 : memref<32x8xf32, #tpu.memory_space<hbm>>) target_semaphore(%run_scoped3A : memref<!tpu.dma_semaphore, #tpu.memory_space<semaphore_mem>>)
      %dma_wait3A_15 = arith.constant 0 : i32
      %dma_wait3A_16 = tpu.memref_slice %arg5[%mul3A_2, %dma_wait3A_15] : memref<1024x8xf32, #tpu.memory_space<hbm>> -> memref<32x8xf32, #tpu.memory_space<hbm>>
      %dma_wait3A_17 = arith.constant 0 : i32
      %dma_wait3A_18 = tpu.memref_slice %arg5[%mul3A_2, %dma_wait3A_17] : memref<1024x8xf32, #tpu.memory_space<hbm>> -> memref<32x8xf32, #tpu.memory_space<hbm>>
      tpu.wait_dma2 semaphore(%run_scoped3A : memref<!tpu.dma_semaphore, #tpu.memory_space<semaphore_mem>>) src(%arg8 : memref<32x8xf32, #tpu.memory_space<vmem>>) dst(%dma_wait3A_18 : memref<32x8xf32, #tpu.memory_space<hbm>>)
      tpu.yield
    }) : () -> ()
    "tpu.region"() ({
      %run_scoped3A = tpu.sem_alloc : memref<!tpu.dma_semaphore, #tpu.memory_space<semaphore_mem>>
      %dma_start3A_11 = tpu.memref_slice %arg6[%mul3A_2] : memref<1024xi32, #tpu.memory_space<hbm>> -> memref<32xi32, #tpu.memory_space<hbm>>
      %dma_start3A_12 = tpu.memref_slice %arg6[%mul3A_2] : memref<1024xi32, #tpu.memory_space<hbm>> -> memref<32xi32, #tpu.memory_space<hbm>>
      tpu.enqueue_dma source(%arg9 : memref<32xi32, #tpu.memory_space<vmem>>) target(%dma_start3A_12 : memref<32xi32, #tpu.memory_space<hbm>>) target_semaphore(%run_scoped3A : memref<!tpu.dma_semaphore, #tpu.memory_space<semaphore_mem>>)
      %dma_wait3A_13 = tpu.memref_slice %arg6[%mul3A_2] : memref<1024xi32, #tpu.memory_space<hbm>> -> memref<32xi32, #tpu.memory_space<hbm>>
      %dma_wait3A_14 = tpu.memref_slice %arg6[%mul3A_2] : memref<1024xi32, #tpu.memory_space<hbm>> -> memref<32xi32, #tpu.memory_space<hbm>>
      tpu.wait_dma2 semaphore(%run_scoped3A : memref<!tpu.dma_semaphore, #tpu.memory_space<semaphore_mem>>) src(%arg9 : memref<32xi32, #tpu.memory_space<vmem>>) dst(%dma_wait3A_14 : memref<32xi32, #tpu.memory_space<hbm>>)
      tpu.yield
    }) : () -> ()
    return
  }
}

module attributes {stable_mosaic.version = 14 : i64} {
  func.func @_select_body(%arg0: memref<160x128xi32, #tpu.memory_space<vmem>>, %arg1: memref<160x128xi32, #tpu.memory_space<vmem>>) attributes {dimension_semantics = [], scalar_prefetch = 0 : i64, scratch_operands = 0 : i64, tpu.core_type = #tpu.core_type<tc>} {
    %get3A = arith.constant 0 : index
    %get3A_0 = arith.constant 0 : index
    %get3A_1 = vector.load %arg0[%get3A, %get3A_0] : memref<160x128xi32, #tpu.memory_space<vmem>>, vector<160x128xi32>
    %scan3A = arith.constant 0 : i32
    %scan3A_2 = arith.constant 1073741824 : i32
    %scan3A_3 = arith.constant 0 : i32
    %scan3A_4 = arith.constant 30 : i32
    %scan3A_5 = arith.addi %scan3A_3, %scan3A_4 : i32
    %scan3A_6 = arith.constant 1 : i32
    %scan3A_7:2 = scf.for %scan3A_58 = %scan3A_3 to %scan3A_5 step %scan3A_6 iter_args(%scan3A_59 = %scan3A, %scan3A_60 = %scan3A_2) -> (i32, i32)  : i32 {
      %add3A_61 = arith.addi %scan3A_59, %scan3A_60 : i32
      %jit3A = arith.constant 2 : i32
      %div3A = arith.divsi %add3A_61, %jit3A : i32
      %sign3A = arith.constant 0 : i32
      %sign3A_62 = arith.cmpi sgt, %add3A_61, %sign3A : i32
      %sign3A_63 = arith.extui %sign3A_62 : i1 to i32
      %sign3A_64 = arith.constant 0 : i32
      %sign3A_65 = arith.cmpi slt, %add3A_61, %sign3A_64 : i32
      %sign3A_66 = arith.extui %sign3A_65 : i1 to i32
      %sign3A_67 = arith.subi %sign3A_63, %sign3A_66 : i32
      %sign3A_68 = arith.constant 0 : i32
      %sign3A_69 = arith.cmpi sgt, %jit3A, %sign3A_68 : i32
      %sign3A_70 = arith.extui %sign3A_69 : i1 to i32
      %sign3A_71 = arith.constant 0 : i32
      %sign3A_72 = arith.cmpi slt, %jit3A, %sign3A_71 : i32
      %sign3A_73 = arith.extui %sign3A_72 : i1 to i32
      %sign3A_74 = arith.subi %sign3A_70, %sign3A_73 : i32
      %ne3A = arith.cmpi ne, %sign3A_67, %sign3A_74 : i32
      %rem3A = arith.remsi %add3A_61, %jit3A : i32
      %ne3A_75 = arith.constant 0 : i32
      %ne3A_76 = arith.cmpi ne, %rem3A, %ne3A_75 : i32
      %and3A_77 = arith.andi %ne3A, %ne3A_76 : i1
      %sub3A_78 = arith.constant 1 : i32
      %sub3A_79 = arith.subi %div3A, %sub3A_78 : i32
      %select_n3A_80 = arith.select %and3A_77, %sub3A_79, %div3A : i32
      %ge3A = vector.broadcast %select_n3A_80 : i32 to vector<160x128xi32>
      %ge3A_81 = arith.cmpi sge, %get3A_1, %ge3A : vector<160x128xi32>
      %convert_element_type3A_82 = arith.extui %ge3A_81 : vector<160x128xi1> to vector<160x128xi32>
      %convert_element_type3A_83 = arith.sitofp %convert_element_type3A_82 : vector<160x128xi32> to vector<160x128xf32>
      %reduce_sum3A_84 = vector.shape_cast %convert_element_type3A_83 : vector<160x128xf32> to vector<1x160x128xf32>
      %reduce_sum3A_85 = arith.constant dense<0.000000e+00> : vector<1xf32>
      %reduce_sum3A_86 = vector.multi_reduction <add>, %reduce_sum3A_84, %reduce_sum3A_85 [1, 2] : vector<1x160x128xf32> to vector<1xf32>
      %reduce_sum3A_87 = vector.shape_cast %reduce_sum3A_86 : vector<1xf32> to vector<1x1x1xf32>
      %reduce_sum3A_88 = vector.extract %reduce_sum3A_87[0, 0, 0] : f32 from vector<1x1x1xf32>
      %ge3A_89 = arith.constant 1.000000e+03 : f32
      %ge3A_90 = arith.cmpf oge, %reduce_sum3A_88, %ge3A_89 : f32
      %select_n3A_91 = arith.select %ge3A_90, %select_n3A_80, %scan3A_59 : i32
      %select_n3A_92 = arith.select %ge3A_90, %scan3A_60, %select_n3A_80 : i32
      scf.yield %select_n3A_91, %select_n3A_92 : i32, i32
    }
    %gt3A = vector.broadcast %scan3A_7#0 : i32 to vector<160x128xi32>
    %gt3A_8 = arith.cmpi sgt, %get3A_1, %gt3A : vector<160x128xi32>
    %convert_element_type3A = arith.extui %gt3A_8 : vector<160x128xi1> to vector<160x128xi32>
    %convert_element_type3A_9 = arith.sitofp %convert_element_type3A : vector<160x128xi32> to vector<160x128xf32>
    %reduce_sum3A = vector.shape_cast %convert_element_type3A_9 : vector<160x128xf32> to vector<1x160x128xf32>
    %reduce_sum3A_10 = arith.constant dense<0.000000e+00> : vector<1xf32>
    %reduce_sum3A_11 = vector.multi_reduction <add>, %reduce_sum3A, %reduce_sum3A_10 [1, 2] : vector<1x160x128xf32> to vector<1xf32>
    %reduce_sum3A_12 = vector.shape_cast %reduce_sum3A_11 : vector<1xf32> to vector<1x1x1xf32>
    %reduce_sum3A_13 = vector.extract %reduce_sum3A_12[0, 0, 0] : f32 from vector<1x1x1xf32>
    %sub3A = arith.constant 1.000000e+03 : f32
    %sub3A_14 = arith.subf %sub3A, %reduce_sum3A_13 : f32
    %iota3A = tpu.iota {dimensions = array<i32: 0>} : vector<128x128xi32>
    %iota3A_15 = tpu.iota {dimensions = array<i32: 1>} : vector<128x128xi32>
    %lt3A = arith.cmpi slt, %iota3A, %iota3A_15 : vector<128x128xi32>
    %convert_element_type3A_16 = arith.extui %lt3A : vector<128x128xi1> to vector<128x128xi32>
    %convert_element_type3A_17 = arith.sitofp %convert_element_type3A_16 : vector<128x128xi32> to vector<128x128xf32>
    %iota3A_18 = tpu.iota {dimensions = array<i32: 0>} : vector<160x160xi32>
    %iota3A_19 = tpu.iota {dimensions = array<i32: 1>} : vector<160x160xi32>
    %lt3A_20 = arith.cmpi slt, %iota3A_19, %iota3A_18 : vector<160x160xi32>
    %convert_element_type3A_21 = arith.extui %lt3A_20 : vector<160x160xi1> to vector<160x160xi32>
    %convert_element_type3A_22 = arith.sitofp %convert_element_type3A_21 : vector<160x160xi32> to vector<160x160xf32>
    %eq3A = vector.broadcast %scan3A_7#0 : i32 to vector<160x128xi32>
    %eq3A_23 = arith.cmpi eq, %get3A_1, %eq3A : vector<160x128xi32>
    %convert_element_type3A_24 = arith.extui %eq3A_23 : vector<160x128xi1> to vector<160x128xi32>
    %convert_element_type3A_25 = arith.sitofp %convert_element_type3A_24 : vector<160x128xi32> to vector<160x128xf32>
    %dot_general3A = arith.constant dense<0.000000e+00> : vector<160x128xf32>
    %dot_general3A_26 = tpu.matmul %convert_element_type3A_25, %convert_element_type3A_17, %dot_general3A {dimension_numbers = #tpu.dot_dimension_numbers<[1], [0], [0], [1], [0, 0, 1, 1], [], []>, transpose_lhs_hint = false} : vector<160x128xf32>, vector<128x128xf32>, vector<160x128xf32> -> vector<160x128xf32>
    %reduce_sum3A_27 = arith.constant dense<0.000000e+00> : vector<160xf32>
    %reduce_sum3A_28 = vector.multi_reduction <add>, %convert_element_type3A_25, %reduce_sum3A_27 [1] : vector<160x128xf32> to vector<160xf32>
    %broadcast_in_dim3A = vector.shape_cast %reduce_sum3A_28 : vector<160xf32> to vector<160x1xf32>
    %dot_general3A_29 = arith.constant dense<0.000000e+00> : vector<160x1xf32>
    %dot_general3A_30 = tpu.matmul %convert_element_type3A_22, %broadcast_in_dim3A, %dot_general3A_29 {dimension_numbers = #tpu.dot_dimension_numbers<[1], [0], [0], [1], [0, 0, 1, 1], [], []>, transpose_lhs_hint = false} : vector<160x160xf32>, vector<160x1xf32>, vector<160x1xf32> -> vector<160x1xf32>
    %add3A = vector.broadcast %dot_general3A_30 : vector<160x1xf32> to vector<160x128xf32>
    %add3A_31 = arith.addf %dot_general3A_26, %add3A : vector<160x128xf32>
    %gt3A_32 = vector.broadcast %scan3A_7#0 : i32 to vector<160x128xi32>
    %gt3A_33 = arith.cmpi sgt, %get3A_1, %gt3A_32 : vector<160x128xi32>
    %lt3A_34 = vector.broadcast %sub3A_14 : f32 to vector<160x128xf32>
    %lt3A_35 = arith.cmpf olt, %add3A_31, %lt3A_34 : vector<160x128xf32>
    %and3A = arith.andi %eq3A_23, %lt3A_35 : vector<160x128xi1>
    %or3A = arith.ori %gt3A_33, %and3A : vector<160x128xi1>
    %convert_element_type3A_36 = arith.extui %or3A : vector<160x128xi1> to vector<160x128xi32>
    %convert_element_type3A_37 = arith.sitofp %convert_element_type3A_36 : vector<160x128xi32> to vector<160x128xf32>
    %dot_general3A_38 = arith.constant dense<0.000000e+00> : vector<160x128xf32>
    %dot_general3A_39 = tpu.matmul %convert_element_type3A_37, %convert_element_type3A_17, %dot_general3A_38 {dimension_numbers = #tpu.dot_dimension_numbers<[1], [0], [0], [1], [0, 0, 1, 1], [], []>, transpose_lhs_hint = false} : vector<160x128xf32>, vector<128x128xf32>, vector<160x128xf32> -> vector<160x128xf32>
    %reduce_sum3A_40 = arith.constant dense<0.000000e+00> : vector<160xf32>
    %reduce_sum3A_41 = vector.multi_reduction <add>, %convert_element_type3A_37, %reduce_sum3A_40 [1] : vector<160x128xf32> to vector<160xf32>
    %broadcast_in_dim3A_42 = vector.shape_cast %reduce_sum3A_41 : vector<160xf32> to vector<160x1xf32>
    %dot_general3A_43 = arith.constant dense<0.000000e+00> : vector<160x1xf32>
    %dot_general3A_44 = tpu.matmul %convert_element_type3A_22, %broadcast_in_dim3A_42, %dot_general3A_43 {dimension_numbers = #tpu.dot_dimension_numbers<[1], [0], [0], [1], [0, 0, 1, 1], [], []>, transpose_lhs_hint = false} : vector<160x160xf32>, vector<160x1xf32>, vector<160x1xf32> -> vector<160x1xf32>
    %add3A_45 = vector.broadcast %dot_general3A_44 : vector<160x1xf32> to vector<160x128xf32>
    %add3A_46 = arith.addf %dot_general3A_39, %add3A_45 : vector<160x128xf32>
    %convert_element_type3A_47 = arith.fptosi %add3A_46 : vector<160x128xf32> to vector<160x128xi32>
    %iota3A_48 = tpu.iota {dimensions = array<i32: 0>} : vector<160x128xi32>
    %mul3A = arith.constant 128 : i32
    %mul3A_49 = vector.broadcast %mul3A : i32 to vector<160x128xi32>
    %mul3A_50 = arith.muli %iota3A_48, %mul3A_49 : vector<160x128xi32>
    %iota3A_51 = tpu.iota {dimensions = array<i32: 1>} : vector<160x128xi32>
    %add3A_52 = arith.addi %mul3A_50, %iota3A_51 : vector<160x128xi32>
    %add3A_53 = arith.constant 1056 : i32
    %add3A_54 = vector.broadcast %add3A_53 : i32 to vector<160x128xi32>
    %add3A_55 = arith.addi %add3A_54, %add3A_52 : vector<160x128xi32>
    %select_n3A = arith.select %or3A, %convert_element_type3A_47, %add3A_55 : vector<160x128xi1>, vector<160x128xi32>
    %swap3A = arith.constant 0 : index
    %swap3A_56 = arith.constant 0 : index
    %swap3A_57 = vector.load %arg1[%swap3A, %swap3A_56] : memref<160x128xi32, #tpu.memory_space<vmem>>, vector<160x128xi32>
    tpu.vector_store %arg1[%swap3A, %swap3A_56], %select_n3A {strides = array<i32>} : memref<160x128xi32, #tpu.memory_space<vmem>>, vector<160x128xi32>,
    return
  }
}

module attributes {stable_mosaic.version = 14 : i64} {
  func.func @_nms_body(%arg0: memref<8x128xf32, #tpu.memory_space<vmem>>, %arg1: memref<8x128xf32, #tpu.memory_space<vmem>>, %arg2: memref<8x128xf32, #tpu.memory_space<vmem>>, %arg3: memref<8x128xf32, #tpu.memory_space<vmem>>, %arg4: memref<8x128xf32, #tpu.memory_space<vmem>>, %arg5: memref<8x128xf32, #tpu.memory_space<vmem>>, %arg6: memref<8x128xf32, #tpu.memory_space<vmem>>, %arg7: memref<8x128xi32, #tpu.memory_space<vmem>>, %arg8: memref<100x128xf32, #tpu.memory_space<vmem>>, %arg9: memref<100x128xi32, #tpu.memory_space<vmem>>) attributes {dimension_semantics = [], scalar_prefetch = 0 : i64, scratch_operands = 0 : i64, tpu.core_type = #tpu.core_type<tc>} {
    %get3A = arith.constant 0 : index
    %get3A_0 = arith.constant 0 : index
    %get3A_1 = vector.load %arg6[%get3A, %get3A_0] : memref<8x128xf32, #tpu.memory_space<vmem>>, vector<8x128xf32>
    %get3A_2 = arith.constant 0 : index
    %get3A_3 = arith.constant 0 : index
    %get3A_4 = vector.load %arg7[%get3A_2, %get3A_3] : memref<8x128xi32, #tpu.memory_space<vmem>>, vector<8x128xi32>
    %convert_element_type3A = arith.sitofp %get3A_4 : vector<8x128xi32> to vector<8x128xf32>
    %get3A_5 = arith.constant 0 : index
    %get3A_6 = arith.constant 0 : index
    %get3A_7 = vector.load %arg0[%get3A_5, %get3A_6] : memref<8x128xf32, #tpu.memory_space<vmem>>, vector<8x128xf32>
    %jit3A = arith.constant 0.000000e+00 : f32
    %jit3A_8 = arith.constant 2.560000e+02 : f32
    %max3A = vector.broadcast %jit3A : f32 to vector<8x128xf32>
    %max3A_9 = arith.maximumf %max3A, %get3A_7 : vector<8x128xf32>
    %min3A = vector.broadcast %jit3A_8 : f32 to vector<8x128xf32>
    %min3A_10 = arith.minimumf %min3A, %max3A_9 : vector<8x128xf32>
    %get3A_11 = arith.constant 0 : index
    %get3A_12 = arith.constant 0 : index
    %get3A_13 = vector.load %arg1[%get3A_11, %get3A_12] : memref<8x128xf32, #tpu.memory_space<vmem>>, vector<8x128xf32>
    %jit3A_14 = arith.constant 0.000000e+00 : f32
    %jit3A_15 = arith.constant 2.560000e+02 : f32
    %max3A_16 = vector.broadcast %jit3A_14 : f32 to vector<8x128xf32>
    %max3A_17 = arith.maximumf %max3A_16, %get3A_13 : vector<8x128xf32>
    %min3A_18 = vector.broadcast %jit3A_15 : f32 to vector<8x128xf32>
    %min3A_19 = arith.minimumf %min3A_18, %max3A_17 : vector<8x128xf32>
    %get3A_20 = arith.constant 0 : index
    %get3A_21 = arith.constant 0 : index
    %get3A_22 = vector.load %arg2[%get3A_20, %get3A_21] : memref<8x128xf32, #tpu.memory_space<vmem>>, vector<8x128xf32>
    %jit3A_23 = arith.constant 0.000000e+00 : f32
    %jit3A_24 = arith.constant 2.560000e+02 : f32
    %max3A_25 = vector.broadcast %jit3A_23 : f32 to vector<8x128xf32>
    %max3A_26 = arith.maximumf %max3A_25, %get3A_22 : vector<8x128xf32>
    %min3A_27 = vector.broadcast %jit3A_24 : f32 to vector<8x128xf32>
    %min3A_28 = arith.minimumf %min3A_27, %max3A_26 : vector<8x128xf32>
    %get3A_29 = arith.constant 0 : index
    %get3A_30 = arith.constant 0 : index
    %get3A_31 = vector.load %arg3[%get3A_29, %get3A_30] : memref<8x128xf32, #tpu.memory_space<vmem>>, vector<8x128xf32>
    %jit3A_32 = arith.constant 0.000000e+00 : f32
    %jit3A_33 = arith.constant 2.560000e+02 : f32
    %max3A_34 = vector.broadcast %jit3A_32 : f32 to vector<8x128xf32>
    %max3A_35 = arith.maximumf %max3A_34, %get3A_31 : vector<8x128xf32>
    %min3A_36 = vector.broadcast %jit3A_33 : f32 to vector<8x128xf32>
    %min3A_37 = arith.minimumf %min3A_36, %max3A_35 : vector<8x128xf32>
    %get3A_38 = arith.constant 0 : index
    %get3A_39 = arith.constant 0 : index
    %get3A_40 = vector.load %arg4[%get3A_38, %get3A_39] : memref<8x128xf32, #tpu.memory_space<vmem>>, vector<8x128xf32>
    %jit3A_41 = arith.constant 0.000000e+00 : f32
    %jit3A_42 = arith.constant 2.560000e+02 : f32
    %max3A_43 = vector.broadcast %jit3A_41 : f32 to vector<8x128xf32>
    %max3A_44 = arith.maximumf %max3A_43, %get3A_40 : vector<8x128xf32>
    %min3A_45 = vector.broadcast %jit3A_42 : f32 to vector<8x128xf32>
    %min3A_46 = arith.minimumf %min3A_45, %max3A_44 : vector<8x128xf32>
    %get3A_47 = arith.constant 0 : index
    %get3A_48 = arith.constant 0 : index
    %get3A_49 = vector.load %arg5[%get3A_47, %get3A_48] : memref<8x128xf32, #tpu.memory_space<vmem>>, vector<8x128xf32>
    %jit3A_50 = arith.constant 0.000000e+00 : f32
    %jit3A_51 = arith.constant 2.560000e+02 : f32
    %max3A_52 = vector.broadcast %jit3A_50 : f32 to vector<8x128xf32>
    %max3A_53 = arith.maximumf %max3A_52, %get3A_49 : vector<8x128xf32>
    %min3A_54 = vector.broadcast %jit3A_51 : f32 to vector<8x128xf32>
    %min3A_55 = arith.minimumf %min3A_54, %max3A_53 : vector<8x128xf32>
    %iota3A = tpu.iota {dimensions = array<i32: 0>} : vector<8x128xi32>
    %mul3A = arith.constant 128 : i32
    %mul3A_56 = vector.broadcast %mul3A : i32 to vector<8x128xi32>
    %mul3A_57 = arith.muli %iota3A, %mul3A_56 : vector<8x128xi32>
    %iota3A_58 = tpu.iota {dimensions = array<i32: 1>} : vector<8x128xi32>
    %add3A = arith.addi %mul3A_57, %iota3A_58 : vector<8x128xi32>
    %lt3A = arith.constant 1000 : i32
    %lt3A_59 = vector.broadcast %lt3A : i32 to vector<8x128xi32>
    %lt3A_60 = arith.cmpi slt, %add3A, %lt3A_59 : vector<8x128xi32>
    %gt3A = arith.constant 0.00999999977 : f32
    %gt3A_61 = vector.broadcast %gt3A : f32 to vector<8x128xf32>
    %gt3A_62 = arith.cmpf ogt, %get3A_1, %gt3A_61 : vector<8x128xf32>
    %sub3A = arith.subf %min3A_37, %min3A_10 : vector<8x128xf32>
    %gt3A_63 = arith.constant 0.00999999977 : f32
    %gt3A_64 = vector.broadcast %gt3A_63 : f32 to vector<8x128xf32>
    %gt3A_65 = arith.cmpf ogt, %sub3A, %gt3A_64 : vector<8x128xf32>
    %and3A = arith.andi %gt3A_62, %gt3A_65 : vector<8x128xi1>
    %sub3A_66 = arith.subf %min3A_46, %min3A_19 : vector<8x128xf32>
    %gt3A_67 = arith.constant 0.00999999977 : f32
    %gt3A_68 = vector.broadcast %gt3A_67 : f32 to vector<8x128xf32>
    %gt3A_69 = arith.cmpf ogt, %sub3A_66, %gt3A_68 : vector<8x128xf32>
    %and3A_70 = arith.andi %and3A, %gt3A_69 : vector<8x128xi1>
    %sub3A_71 = arith.subf %min3A_55, %min3A_28 : vector<8x128xf32>
    %gt3A_72 = arith.constant 0.00999999977 : f32
    %gt3A_73 = vector.broadcast %gt3A_72 : f32 to vector<8x128xf32>
    %gt3A_74 = arith.cmpf ogt, %sub3A_71, %gt3A_73 : vector<8x128xf32>
    %and3A_75 = arith.andi %and3A_70, %gt3A_74 : vector<8x128xi1>
    %and3A_76 = arith.andi %and3A_75, %lt3A_60 : vector<8x128xi1>
    %jit3A_77 = arith.constant 0.000000e+00 : f32
    %broadcast_in_dim3A = vector.broadcast %jit3A_77 : f32 to vector<8x128xf32>
    %select_n3A = arith.select %lt3A_60, %min3A_10, %broadcast_in_dim3A : vector<8x128xi1>, vector<8x128xf32>
    %reduce_max3A = vector.shape_cast %select_n3A : vector<8x128xf32> to vector<1x8x128xf32>
    %reduce_max3A_78 = arith.constant dense<0xFF800000> : vector<1xf32>
    %reduce_max3A_79 = vector.multi_reduction <maximumf>, %reduce_max3A, %reduce_max3A_78 [1, 2] : vector<1x8x128xf32> to vector<1xf32>
    %reduce_max3A_80 = vector.shape_cast %reduce_max3A_79 : vector<1xf32> to vector<1x1x1xf32>
    %reduce_max3A_81 = vector.extract %reduce_max3A_80[0, 0, 0] : f32 from vector<1x1x1xf32>
    %jit3A_82 = arith.constant 0.000000e+00 : f32
    %broadcast_in_dim3A_83 = vector.broadcast %jit3A_82 : f32 to vector<8x128xf32>
    %select_n3A_84 = arith.select %lt3A_60, %min3A_19, %broadcast_in_dim3A_83 : vector<8x128xi1>, vector<8x128xf32>
    %reduce_max3A_85 = vector.shape_cast %select_n3A_84 : vector<8x128xf32> to vector<1x8x128xf32>
    %reduce_max3A_86 = arith.constant dense<0xFF800000> : vector<1xf32>
    %reduce_max3A_87 = vector.multi_reduction <maximumf>, %reduce_max3A_85, %reduce_max3A_86 [1, 2] : vector<1x8x128xf32> to vector<1xf32>
    %reduce_max3A_88 = vector.shape_cast %reduce_max3A_87 : vector<1xf32> to vector<1x1x1xf32>
    %reduce_max3A_89 = vector.extract %reduce_max3A_88[0, 0, 0] : f32 from vector<1x1x1xf32>
    %max3A_90 = arith.maximumf %reduce_max3A_81, %reduce_max3A_89 : f32
    %jit3A_91 = arith.constant 0.000000e+00 : f32
    %broadcast_in_dim3A_92 = vector.broadcast %jit3A_91 : f32 to vector<8x128xf32>
    %select_n3A_93 = arith.select %lt3A_60, %min3A_28, %broadcast_in_dim3A_92 : vector<8x128xi1>, vector<8x128xf32>
    %reduce_max3A_94 = vector.shape_cast %select_n3A_93 : vector<8x128xf32> to vector<1x8x128xf32>
    %reduce_max3A_95 = arith.constant dense<0xFF800000> : vector<1xf32>
    %reduce_max3A_96 = vector.multi_reduction <maximumf>, %reduce_max3A_94, %reduce_max3A_95 [1, 2] : vector<1x8x128xf32> to vector<1xf32>
    %reduce_max3A_97 = vector.shape_cast %reduce_max3A_96 : vector<1xf32> to vector<1x1x1xf32>
    %reduce_max3A_98 = vector.extract %reduce_max3A_97[0, 0, 0] : f32 from vector<1x1x1xf32>
    %jit3A_99 = arith.constant 0.000000e+00 : f32
    %broadcast_in_dim3A_100 = vector.broadcast %jit3A_99 : f32 to vector<8x128xf32>
    %select_n3A_101 = arith.select %lt3A_60, %min3A_37, %broadcast_in_dim3A_100 : vector<8x128xi1>, vector<8x128xf32>
    %reduce_max3A_102 = vector.shape_cast %select_n3A_101 : vector<8x128xf32> to vector<1x8x128xf32>
    %reduce_max3A_103 = arith.constant dense<0xFF800000> : vector<1xf32>
    %reduce_max3A_104 = vector.multi_reduction <maximumf>, %reduce_max3A_102, %reduce_max3A_103 [1, 2] : vector<1x8x128xf32> to vector<1xf32>
    %reduce_max3A_105 = vector.shape_cast %reduce_max3A_104 : vector<1xf32> to vector<1x1x1xf32>
    %reduce_max3A_106 = vector.extract %reduce_max3A_105[0, 0, 0] : f32 from vector<1x1x1xf32>
    %max3A_107 = arith.maximumf %reduce_max3A_98, %reduce_max3A_106 : f32
    %jit3A_108 = arith.constant 0.000000e+00 : f32
    %broadcast_in_dim3A_109 = vector.broadcast %jit3A_108 : f32 to vector<8x128xf32>
    %select_n3A_110 = arith.select %lt3A_60, %min3A_46, %broadcast_in_dim3A_109 : vector<8x128xi1>, vector<8x128xf32>
    %reduce_max3A_111 = vector.shape_cast %select_n3A_110 : vector<8x128xf32> to vector<1x8x128xf32>
    %reduce_max3A_112 = arith.constant dense<0xFF800000> : vector<1xf32>
    %reduce_max3A_113 = vector.multi_reduction <maximumf>, %reduce_max3A_111, %reduce_max3A_112 [1, 2] : vector<1x8x128xf32> to vector<1xf32>
    %reduce_max3A_114 = vector.shape_cast %reduce_max3A_113 : vector<1xf32> to vector<1x1x1xf32>
    %reduce_max3A_115 = vector.extract %reduce_max3A_114[0, 0, 0] : f32 from vector<1x1x1xf32>
    %jit3A_116 = arith.constant 0.000000e+00 : f32
    %broadcast_in_dim3A_117 = vector.broadcast %jit3A_116 : f32 to vector<8x128xf32>
    %select_n3A_118 = arith.select %lt3A_60, %min3A_55, %broadcast_in_dim3A_117 : vector<8x128xi1>, vector<8x128xf32>
    %reduce_max3A_119 = vector.shape_cast %select_n3A_118 : vector<8x128xf32> to vector<1x8x128xf32>
    %reduce_max3A_120 = arith.constant dense<0xFF800000> : vector<1xf32>
    %reduce_max3A_121 = vector.multi_reduction <maximumf>, %reduce_max3A_119, %reduce_max3A_120 [1, 2] : vector<1x8x128xf32> to vector<1xf32>
    %reduce_max3A_122 = vector.shape_cast %reduce_max3A_121 : vector<1xf32> to vector<1x1x1xf32>
    %reduce_max3A_123 = vector.extract %reduce_max3A_122[0, 0, 0] : f32 from vector<1x1x1xf32>
    %max3A_124 = arith.maximumf %reduce_max3A_115, %reduce_max3A_123 : f32
    %max3A_125 = arith.maximumf %max3A_107, %max3A_124 : f32
    %max3A_126 = arith.maximumf %max3A_90, %max3A_125 : f32
    %add3A_127 = arith.constant 1.000000e+00 : f32
    %add3A_128 = arith.addf %max3A_126, %add3A_127 : f32
    %mul3A_129 = vector.broadcast %add3A_128 : f32 to vector<8x128xf32>
    %mul3A_130 = arith.mulf %convert_element_type3A, %mul3A_129 : vector<8x128xf32>
    %add3A_131 = arith.addf %min3A_10, %mul3A_130 : vector<8x128xf32>
    %add3A_132 = arith.addf %min3A_19, %mul3A_130 : vector<8x128xf32>
    %add3A_133 = arith.addf %min3A_28, %mul3A_130 : vector<8x128xf32>
    %add3A_134 = arith.addf %min3A_37, %mul3A_130 : vector<8x128xf32>
    %add3A_135 = arith.addf %min3A_46, %mul3A_130 : vector<8x128xf32>
    %add3A_136 = arith.addf %min3A_55, %mul3A_130 : vector<8x128xf32>
    %sub3A_137 = arith.subf %add3A_134, %add3A_131 : vector<8x128xf32>
    %max3A_138 = arith.constant 0.000000e+00 : f32
    %max3A_139 = vector.broadcast %max3A_138 : f32 to vector<8x128xf32>
    %max3A_140 = arith.maximumf %sub3A_137, %max3A_139 : vector<8x128xf32>
    %sub3A_141 = arith.subf %add3A_135, %add3A_132 : vector<8x128xf32>
    %max3A_142 = arith.constant 0.000000e+00 : f32
    %max3A_143 = vector.broadcast %max3A_142 : f32 to vector<8x128xf32>
    %max3A_144 = arith.maximumf %sub3A_141, %max3A_143 : vector<8x128xf32>
    %mul3A_145 = arith.mulf %max3A_140, %max3A_144 : vector<8x128xf32>
    %sub3A_146 = arith.subf %add3A_136, %add3A_133 : vector<8x128xf32>
    %max3A_147 = arith.constant 0.000000e+00 : f32
    %max3A_148 = vector.broadcast %max3A_147 : f32 to vector<8x128xf32>
    %max3A_149 = arith.maximumf %sub3A_146, %max3A_148 : vector<8x128xf32>
    %mul3A_150 = arith.mulf %mul3A_145, %max3A_149 : vector<8x128xf32>
    %broadcast_in_dim3A_151 = arith.constant 0.000000e+00 : f32
    %broadcast_in_dim3A_152 = vector.broadcast %broadcast_in_dim3A_151 : f32 to vector<100x128xf32>
    %swap3A = arith.constant 0 : index
    %swap3A_153 = arith.constant 0 : index
    %swap3A_154 = vector.load %arg8[%swap3A, %swap3A_153] : memref<100x128xf32, #tpu.memory_space<vmem>>, vector<100x128xf32>
    tpu.vector_store %arg8[%swap3A, %swap3A_153], %broadcast_in_dim3A_152 {strides = array<i32>} : memref<100x128xf32, #tpu.memory_space<vmem>>, vector<100x128xf32>,
    %broadcast_in_dim3A_155 = arith.constant 0 : i32
    %broadcast_in_dim3A_156 = vector.broadcast %broadcast_in_dim3A_155 : i32 to vector<100x128xi32>
    %swap3A_157 = arith.constant 0 : index
    %swap3A_158 = arith.constant 0 : index
    %swap3A_159 = vector.load %arg9[%swap3A_157, %swap3A_158] : memref<100x128xi32, #tpu.memory_space<vmem>>, vector<100x128xi32>
    tpu.vector_store %arg9[%swap3A_157, %swap3A_158], %broadcast_in_dim3A_156 {strides = array<i32>} : memref<100x128xi32, #tpu.memory_space<vmem>>, vector<100x128xi32>,
    %iota3A_160 = tpu.iota {dimensions = array<i32: 1>} : vector<1x128xi32>
    %convert_element_type3A_161 = arith.extui %and3A_76 : vector<8x128xi1> to vector<8x128xi32>
    %convert_element_type3A_162 = arith.sitofp %convert_element_type3A_161 : vector<8x128xi32> to vector<8x128xf32>
    %while3A = arith.constant 0.000000e+00 : f32
    %while3A_163 = arith.constant 0xFF800000 : f32
    %while3A_164 = arith.constant 0 : i32
    %while3A_165 = arith.constant 0 : i32
    %while3A_166 = arith.constant 0 : i32
    %while3A_167:4 = scf.while (%while3A_168 = %convert_element_type3A_162, %while3A_169 = %while3A_164, %while3A_170 = %while3A_165, %while3A_171 = %while3A_166) : (vector<8x128xf32>, i32, i32, i32) -> (vector<8x128xf32>, i32, i32, i32) {
      %eq3A = arith.constant 0 : i32
      %eq3A_172 = arith.cmpi eq, %while3A_170, %eq3A : i32
      scf.condition(%eq3A_172) %while3A_168, %while3A_169, %while3A_170, %while3A_171 : vector<8x128xf32>, i32, i32, i32
    } do {
    ^bb0(%while3A_168: vector<8x128xf32>, %while3A_169: i32, %while3A_170: i32, %while3A_171: i32):
      %gt3A_172 = vector.broadcast %while3A : f32 to vector<8x128xf32>
      %gt3A_173 = arith.cmpf ogt, %while3A_168, %gt3A_172 : vector<8x128xf32>
      %broadcast_in_dim3A_174 = vector.broadcast %while3A_163 : f32 to vector<8x128xf32>
      %select_n3A_175 = arith.select %gt3A_173, %get3A_1, %broadcast_in_dim3A_174 : vector<8x128xi1>, vector<8x128xf32>
      %reduce_max3A_176 = vector.shape_cast %select_n3A_175 : vector<8x128xf32> to vector<1x8x128xf32>
      %reduce_max3A_177 = arith.constant dense<0xFF800000> : vector<1xf32>
      %reduce_max3A_178 = vector.multi_reduction <maximumf>, %reduce_max3A_176, %reduce_max3A_177 [1, 2] : vector<1x8x128xf32> to vector<1xf32>
      %reduce_max3A_179 = vector.shape_cast %reduce_max3A_178 : vector<1xf32> to vector<1x1x1xf32>
      %reduce_max3A_180 = vector.extract %reduce_max3A_179[0, 0, 0] : f32 from vector<1x1x1xf32>
      %gt3A_181 = arith.cmpf ogt, %reduce_max3A_180, %while3A_163 : f32
      %eq3A = vector.broadcast %reduce_max3A_180 : f32 to vector<8x128xf32>
      %eq3A_182 = arith.cmpf oeq, %select_n3A_175, %eq3A : vector<8x128xf32>
      %jit3A_183 = arith.constant 1073741824 : i32
      %broadcast_in_dim3A_184 = vector.broadcast %jit3A_183 : i32 to vector<8x128xi32>
      %select_n3A_185 = arith.select %eq3A_182, %add3A, %broadcast_in_dim3A_184 : vector<8x128xi1>, vector<8x128xi32>
      %reduce_min3A = vector.shape_cast %select_n3A_185 : vector<8x128xi32> to vector<1x8x128xi32>
      %reduce_min3A_186 = arith.constant dense<2147483647> : vector<1xi32>
      %reduce_min3A_187 = vector.multi_reduction <minsi>, %reduce_min3A, %reduce_min3A_186 [1, 2] : vector<1x8x128xi32> to vector<1xi32>
      %reduce_min3A_188 = vector.shape_cast %reduce_min3A_187 : vector<1xi32> to vector<1x1x1xi32>
      %reduce_min3A_189 = vector.extract %reduce_min3A_188[0, 0, 0] : i32 from vector<1x1x1xi32>
      %jit3A_190 = arith.constant 0 : i32
      %select_n3A_191 = arith.select %gt3A_181, %reduce_min3A_189, %jit3A_190 : i32
      %eq3A_192 = vector.broadcast %select_n3A_191 : i32 to vector<8x128xi32>
      %eq3A_193 = arith.cmpi eq, %add3A, %eq3A_192 : vector<8x128xi32>
      %convert_element_type3A_194 = arith.extui %eq3A_193 : vector<8x128xi1> to vector<8x128xi32>
      %convert_element_type3A_195 = arith.sitofp %convert_element_type3A_194 : vector<8x128xi32> to vector<8x128xf32>
      %mul3A_196 = arith.mulf %add3A_131, %convert_element_type3A_195 : vector<8x128xf32>
      %reduce_sum3A = vector.shape_cast %mul3A_196 : vector<8x128xf32> to vector<1x8x128xf32>
      %reduce_sum3A_197 = arith.constant dense<0.000000e+00> : vector<1xf32>
      %reduce_sum3A_198 = vector.multi_reduction <add>, %reduce_sum3A, %reduce_sum3A_197 [1, 2] : vector<1x8x128xf32> to vector<1xf32>
      %reduce_sum3A_199 = vector.shape_cast %reduce_sum3A_198 : vector<1xf32> to vector<1x1x1xf32>
      %reduce_sum3A_200 = vector.extract %reduce_sum3A_199[0, 0, 0] : f32 from vector<1x1x1xf32>
      %mul3A_201 = arith.mulf %add3A_132, %convert_element_type3A_195 : vector<8x128xf32>
      %reduce_sum3A_202 = vector.shape_cast %mul3A_201 : vector<8x128xf32> to vector<1x8x128xf32>
      %reduce_sum3A_203 = arith.constant dense<0.000000e+00> : vector<1xf32>
      %reduce_sum3A_204 = vector.multi_reduction <add>, %reduce_sum3A_202, %reduce_sum3A_203 [1, 2] : vector<1x8x128xf32> to vector<1xf32>
      %reduce_sum3A_205 = vector.shape_cast %reduce_sum3A_204 : vector<1xf32> to vector<1x1x1xf32>
      %reduce_sum3A_206 = vector.extract %reduce_sum3A_205[0, 0, 0] : f32 from vector<1x1x1xf32>
      %mul3A_207 = arith.mulf %add3A_133, %convert_element_type3A_195 : vector<8x128xf32>
      %reduce_sum3A_208 = vector.shape_cast %mul3A_207 : vector<8x128xf32> to vector<1x8x128xf32>
      %reduce_sum3A_209 = arith.constant dense<0.000000e+00> : vector<1xf32>
      %reduce_sum3A_210 = vector.multi_reduction <add>, %reduce_sum3A_208, %reduce_sum3A_209 [1, 2] : vector<1x8x128xf32> to vector<1xf32>
      %reduce_sum3A_211 = vector.shape_cast %reduce_sum3A_210 : vector<1xf32> to vector<1x1x1xf32>
      %reduce_sum3A_212 = vector.extract %reduce_sum3A_211[0, 0, 0] : f32 from vector<1x1x1xf32>
      %mul3A_213 = arith.mulf %add3A_134, %convert_element_type3A_195 : vector<8x128xf32>
      %reduce_sum3A_214 = vector.shape_cast %mul3A_213 : vector<8x128xf32> to vector<1x8x128xf32>
      %reduce_sum3A_215 = arith.constant dense<0.000000e+00> : vector<1xf32>
      %reduce_sum3A_216 = vector.multi_reduction <add>, %reduce_sum3A_214, %reduce_sum3A_215 [1, 2] : vector<1x8x128xf32> to vector<1xf32>
      %reduce_sum3A_217 = vector.shape_cast %reduce_sum3A_216 : vector<1xf32> to vector<1x1x1xf32>
      %reduce_sum3A_218 = vector.extract %reduce_sum3A_217[0, 0, 0] : f32 from vector<1x1x1xf32>
      %mul3A_219 = arith.mulf %add3A_135, %convert_element_type3A_195 : vector<8x128xf32>
      %reduce_sum3A_220 = vector.shape_cast %mul3A_219 : vector<8x128xf32> to vector<1x8x128xf32>
      %reduce_sum3A_221 = arith.constant dense<0.000000e+00> : vector<1xf32>
      %reduce_sum3A_222 = vector.multi_reduction <add>, %reduce_sum3A_220, %reduce_sum3A_221 [1, 2] : vector<1x8x128xf32> to vector<1xf32>
      %reduce_sum3A_223 = vector.shape_cast %reduce_sum3A_222 : vector<1xf32> to vector<1x1x1xf32>
      %reduce_sum3A_224 = vector.extract %reduce_sum3A_223[0, 0, 0] : f32 from vector<1x1x1xf32>
      %mul3A_225 = arith.mulf %add3A_136, %convert_element_type3A_195 : vector<8x128xf32>
      %reduce_sum3A_226 = vector.shape_cast %mul3A_225 : vector<8x128xf32> to vector<1x8x128xf32>
      %reduce_sum3A_227 = arith.constant dense<0.000000e+00> : vector<1xf32>
      %reduce_sum3A_228 = vector.multi_reduction <add>, %reduce_sum3A_226, %reduce_sum3A_227 [1, 2] : vector<1x8x128xf32> to vector<1xf32>
      %reduce_sum3A_229 = vector.shape_cast %reduce_sum3A_228 : vector<1xf32> to vector<1x1x1xf32>
      %reduce_sum3A_230 = vector.extract %reduce_sum3A_229[0, 0, 0] : f32 from vector<1x1x1xf32>
      %mul3A_231 = arith.mulf %mul3A_150, %convert_element_type3A_195 : vector<8x128xf32>
      %reduce_sum3A_232 = vector.shape_cast %mul3A_231 : vector<8x128xf32> to vector<1x8x128xf32>
      %reduce_sum3A_233 = arith.constant dense<0.000000e+00> : vector<1xf32>
      %reduce_sum3A_234 = vector.multi_reduction <add>, %reduce_sum3A_232, %reduce_sum3A_233 [1, 2] : vector<1x8x128xf32> to vector<1xf32>
      %reduce_sum3A_235 = vector.shape_cast %reduce_sum3A_234 : vector<1xf32> to vector<1x1x1xf32>
      %reduce_sum3A_236 = vector.extract %reduce_sum3A_235[0, 0, 0] : f32 from vector<1x1x1xf32>
      %max3A_237 = vector.broadcast %reduce_sum3A_200 : f32 to vector<8x128xf32>
      %max3A_238 = arith.maximumf %max3A_237, %add3A_131 : vector<8x128xf32>
      %max3A_239 = vector.broadcast %reduce_sum3A_206 : f32 to vector<8x128xf32>
      %max3A_240 = arith.maximumf %max3A_239, %add3A_132 : vector<8x128xf32>
      %max3A_241 = vector.broadcast %reduce_sum3A_212 : f32 to vector<8x128xf32>
      %max3A_242 = arith.maximumf %max3A_241, %add3A_133 : vector<8x128xf32>
      %min3A_243 = vector.broadcast %reduce_sum3A_218 : f32 to vector<8x128xf32>
      %min3A_244 = arith.minimumf %min3A_243, %add3A_134 : vector<8x128xf32>
      %min3A_245 = vector.broadcast %reduce_sum3A_224 : f32 to vector<8x128xf32>
      %min3A_246 = arith.minimumf %min3A_245, %add3A_135 : vector<8x128xf32>
      %min3A_247 = vector.broadcast %reduce_sum3A_230 : f32 to vector<8x128xf32>
      %min3A_248 = arith.minimumf %min3A_247, %add3A_136 : vector<8x128xf32>
      %sub3A_249 = arith.subf %min3A_244, %max3A_238 : vector<8x128xf32>
      %max3A_250 = arith.constant 0.000000e+00 : f32
      %max3A_251 = vector.broadcast %max3A_250 : f32 to vector<8x128xf32>
      %max3A_252 = arith.maximumf %sub3A_249, %max3A_251 : vector<8x128xf32>
      %sub3A_253 = arith.subf %min3A_246, %max3A_240 : vector<8x128xf32>
      %max3A_254 = arith.constant 0.000000e+00 : f32
      %max3A_255 = vector.broadcast %max3A_254 : f32 to vector<8x128xf32>
      %max3A_256 = arith.maximumf %sub3A_253, %max3A_255 : vector<8x128xf32>
      %mul3A_257 = arith.mulf %max3A_252, %max3A_256 : vector<8x128xf32>
      %sub3A_258 = arith.subf %min3A_248, %max3A_242 : vector<8x128xf32>
      %max3A_259 = arith.constant 0.000000e+00 : f32
      %max3A_260 = vector.broadcast %max3A_259 : f32 to vector<8x128xf32>
      %max3A_261 = arith.maximumf %sub3A_258, %max3A_260 : vector<8x128xf32>
      %mul3A_262 = arith.mulf %mul3A_257, %max3A_261 : vector<8x128xf32>
      %add3A_263 = vector.broadcast %reduce_sum3A_236 : f32 to vector<8x128xf32>
      %add3A_264 = arith.addf %add3A_263, %mul3A_150 : vector<8x128xf32>
      %sub3A_265 = arith.subf %add3A_264, %mul3A_262 : vector<8x128xf32>
      %max3A_266 = arith.constant 9.99999993E-9 : f32
      %max3A_267 = vector.broadcast %max3A_266 : f32 to vector<8x128xf32>
      %max3A_268 = arith.maximumf %sub3A_265, %max3A_267 : vector<8x128xf32>
      %div3A = arith.divf %mul3A_262, %max3A_268 : vector<8x128xf32>
      %gt3A_269 = arith.constant 5.000000e-01 : f32
      %gt3A_270 = vector.broadcast %gt3A_269 : f32 to vector<8x128xf32>
      %gt3A_271 = arith.cmpf ogt, %div3A, %gt3A_270 : vector<8x128xf32>
      %eq3A_272 = vector.broadcast %select_n3A_191 : i32 to vector<8x128xi32>
      %eq3A_273 = arith.cmpi eq, %add3A, %eq3A_272 : vector<8x128xi32>
      %or3A = arith.ori %gt3A_271, %eq3A_273 : vector<8x128xi1>
      %and3A_274 = vector.broadcast %gt3A_181 : i1 to vector<8x128xi1>
      %and3A_275 = arith.andi %or3A, %and3A_274 : vector<8x128xi1>
      %not3A = arith.constant dense<true> : vector<8x128xi1>
      %not3A_276 = arith.xori %and3A_275, %not3A : vector<8x128xi1>
      %and3A_277 = arith.andi %gt3A_173, %not3A_276 : vector<8x128xi1>
      %lt3A_278 = arith.constant 100 : i32
      %lt3A_279 = arith.cmpi slt, %while3A_169, %lt3A_278 : i32
      %and3A_280 = arith.andi %gt3A_181, %lt3A_279 : i1
      %convert_element_type3A_281 = arith.extui %and3A_280 : i1 to i32
      %cond3A = arith.constant 0 : i32
      %cond3A_282 = arith.cmpi ne, %convert_element_type3A_281, %cond3A : i32
      scf.if %cond3A_282 {
        %mul3A_303 = arith.mulf %get3A_1, %convert_element_type3A_195 : vector<8x128xf32>
        %reduce_sum3A_304 = vector.shape_cast %mul3A_303 : vector<8x128xf32> to vector<1x8x128xf32>
        %reduce_sum3A_305 = arith.constant dense<0.000000e+00> : vector<1xf32>
        %reduce_sum3A_306 = vector.multi_reduction <add>, %reduce_sum3A_304, %reduce_sum3A_305 [1, 2] : vector<1x8x128xf32> to vector<1xf32>
        %reduce_sum3A_307 = vector.shape_cast %reduce_sum3A_306 : vector<1xf32> to vector<1x1x1xf32>
        %reduce_sum3A_308 = vector.extract %reduce_sum3A_307[0, 0, 0] : f32 from vector<1x1x1xf32>
        %eq3A_309 = arith.constant 0 : i32
        %eq3A_310 = vector.broadcast %eq3A_309 : i32 to vector<1x128xi32>
        %eq3A_311 = arith.cmpi eq, %iota3A_160, %eq3A_310 : vector<1x128xi32>
        %mul3A_312 = arith.mulf %min3A_10, %convert_element_type3A_195 : vector<8x128xf32>
        %reduce_sum3A_313 = vector.shape_cast %mul3A_312 : vector<8x128xf32> to vector<1x8x128xf32>
        %reduce_sum3A_314 = arith.constant dense<0.000000e+00> : vector<1xf32>
        %reduce_sum3A_315 = vector.multi_reduction <add>, %reduce_sum3A_313, %reduce_sum3A_314 [1, 2] : vector<1x8x128xf32> to vector<1xf32>
        %reduce_sum3A_316 = vector.shape_cast %reduce_sum3A_315 : vector<1xf32> to vector<1x1x1xf32>
        %reduce_sum3A_317 = vector.extract %reduce_sum3A_316[0, 0, 0] : f32 from vector<1x1x1xf32>
        %broadcast_in_dim3A_318 = vector.broadcast %reduce_sum3A_317 : f32 to vector<1x128xf32>
        %broadcast_in_dim3A_319 = vector.broadcast %while3A : f32 to vector<1x128xf32>
        %select_n3A_320 = arith.select %eq3A_311, %broadcast_in_dim3A_318, %broadcast_in_dim3A_319 : vector<1x128xi1>, vector<1x128xf32>
        %eq3A_321 = arith.constant 1 : i32
        %eq3A_322 = vector.broadcast %eq3A_321 : i32 to vector<1x128xi32>
        %eq3A_323 = arith.cmpi eq, %iota3A_160, %eq3A_322 : vector<1x128xi32>
        %mul3A_324 = arith.mulf %min3A_19, %convert_element_type3A_195 : vector<8x128xf32>
        %reduce_sum3A_325 = vector.shape_cast %mul3A_324 : vector<8x128xf32> to vector<1x8x128xf32>
        %reduce_sum3A_326 = arith.constant dense<0.000000e+00> : vector<1xf32>
        %reduce_sum3A_327 = vector.multi_reduction <add>, %reduce_sum3A_325, %reduce_sum3A_326 [1, 2] : vector<1x8x128xf32> to vector<1xf32>
        %reduce_sum3A_328 = vector.shape_cast %reduce_sum3A_327 : vector<1xf32> to vector<1x1x1xf32>
        %reduce_sum3A_329 = vector.extract %reduce_sum3A_328[0, 0, 0] : f32 from vector<1x1x1xf32>
        %broadcast_in_dim3A_330 = vector.broadcast %reduce_sum3A_329 : f32 to vector<1x128xf32>
        %broadcast_in_dim3A_331 = vector.broadcast %while3A : f32 to vector<1x128xf32>
        %select_n3A_332 = arith.select %eq3A_323, %broadcast_in_dim3A_330, %broadcast_in_dim3A_331 : vector<1x128xi1>, vector<1x128xf32>
        %add3A_333 = arith.addf %select_n3A_320, %select_n3A_332 : vector<1x128xf32>
        %eq3A_334 = arith.constant 2 : i32
        %eq3A_335 = vector.broadcast %eq3A_334 : i32 to vector<1x128xi32>
        %eq3A_336 = arith.cmpi eq, %iota3A_160, %eq3A_335 : vector<1x128xi32>
        %mul3A_337 = arith.mulf %min3A_28, %convert_element_type3A_195 : vector<8x128xf32>
        %reduce_sum3A_338 = vector.shape_cast %mul3A_337 : vector<8x128xf32> to vector<1x8x128xf32>
        %reduce_sum3A_339 = arith.constant dense<0.000000e+00> : vector<1xf32>
        %reduce_sum3A_340 = vector.multi_reduction <add>, %reduce_sum3A_338, %reduce_sum3A_339 [1, 2] : vector<1x8x128xf32> to vector<1xf32>
        %reduce_sum3A_341 = vector.shape_cast %reduce_sum3A_340 : vector<1xf32> to vector<1x1x1xf32>
        %reduce_sum3A_342 = vector.extract %reduce_sum3A_341[0, 0, 0] : f32 from vector<1x1x1xf32>
        %broadcast_in_dim3A_343 = vector.broadcast %reduce_sum3A_342 : f32 to vector<1x128xf32>
        %broadcast_in_dim3A_344 = vector.broadcast %while3A : f32 to vector<1x128xf32>
        %select_n3A_345 = arith.select %eq3A_336, %broadcast_in_dim3A_343, %broadcast_in_dim3A_344 : vector<1x128xi1>, vector<1x128xf32>
        %add3A_346 = arith.addf %add3A_333, %select_n3A_345 : vector<1x128xf32>
        %eq3A_347 = arith.constant 3 : i32
        %eq3A_348 = vector.broadcast %eq3A_347 : i32 to vector<1x128xi32>
        %eq3A_349 = arith.cmpi eq, %iota3A_160, %eq3A_348 : vector<1x128xi32>
        %mul3A_350 = arith.mulf %min3A_37, %convert_element_type3A_195 : vector<8x128xf32>
        %reduce_sum3A_351 = vector.shape_cast %mul3A_350 : vector<8x128xf32> to vector<1x8x128xf32>
        %reduce_sum3A_352 = arith.constant dense<0.000000e+00> : vector<1xf32>
        %reduce_sum3A_353 = vector.multi_reduction <add>, %reduce_sum3A_351, %reduce_sum3A_352 [1, 2] : vector<1x8x128xf32> to vector<1xf32>
        %reduce_sum3A_354 = vector.shape_cast %reduce_sum3A_353 : vector<1xf32> to vector<1x1x1xf32>
        %reduce_sum3A_355 = vector.extract %reduce_sum3A_354[0, 0, 0] : f32 from vector<1x1x1xf32>
        %broadcast_in_dim3A_356 = vector.broadcast %reduce_sum3A_355 : f32 to vector<1x128xf32>
        %broadcast_in_dim3A_357 = vector.broadcast %while3A : f32 to vector<1x128xf32>
        %select_n3A_358 = arith.select %eq3A_349, %broadcast_in_dim3A_356, %broadcast_in_dim3A_357 : vector<1x128xi1>, vector<1x128xf32>
        %add3A_359 = arith.addf %add3A_346, %select_n3A_358 : vector<1x128xf32>
        %eq3A_360 = arith.constant 4 : i32
        %eq3A_361 = vector.broadcast %eq3A_360 : i32 to vector<1x128xi32>
        %eq3A_362 = arith.cmpi eq, %iota3A_160, %eq3A_361 : vector<1x128xi32>
        %mul3A_363 = arith.mulf %min3A_46, %convert_element_type3A_195 : vector<8x128xf32>
        %reduce_sum3A_364 = vector.shape_cast %mul3A_363 : vector<8x128xf32> to vector<1x8x128xf32>
        %reduce_sum3A_365 = arith.constant dense<0.000000e+00> : vector<1xf32>
        %reduce_sum3A_366 = vector.multi_reduction <add>, %reduce_sum3A_364, %reduce_sum3A_365 [1, 2] : vector<1x8x128xf32> to vector<1xf32>
        %reduce_sum3A_367 = vector.shape_cast %reduce_sum3A_366 : vector<1xf32> to vector<1x1x1xf32>
        %reduce_sum3A_368 = vector.extract %reduce_sum3A_367[0, 0, 0] : f32 from vector<1x1x1xf32>
        %broadcast_in_dim3A_369 = vector.broadcast %reduce_sum3A_368 : f32 to vector<1x128xf32>
        %broadcast_in_dim3A_370 = vector.broadcast %while3A : f32 to vector<1x128xf32>
        %select_n3A_371 = arith.select %eq3A_362, %broadcast_in_dim3A_369, %broadcast_in_dim3A_370 : vector<1x128xi1>, vector<1x128xf32>
        %add3A_372 = arith.addf %add3A_359, %select_n3A_371 : vector<1x128xf32>
        %eq3A_373 = arith.constant 5 : i32
        %eq3A_374 = vector.broadcast %eq3A_373 : i32 to vector<1x128xi32>
        %eq3A_375 = arith.cmpi eq, %iota3A_160, %eq3A_374 : vector<1x128xi32>
        %mul3A_376 = arith.mulf %min3A_55, %convert_element_type3A_195 : vector<8x128xf32>
        %reduce_sum3A_377 = vector.shape_cast %mul3A_376 : vector<8x128xf32> to vector<1x8x128xf32>
        %reduce_sum3A_378 = arith.constant dense<0.000000e+00> : vector<1xf32>
        %reduce_sum3A_379 = vector.multi_reduction <add>, %reduce_sum3A_377, %reduce_sum3A_378 [1, 2] : vector<1x8x128xf32> to vector<1xf32>
        %reduce_sum3A_380 = vector.shape_cast %reduce_sum3A_379 : vector<1xf32> to vector<1x1x1xf32>
        %reduce_sum3A_381 = vector.extract %reduce_sum3A_380[0, 0, 0] : f32 from vector<1x1x1xf32>
        %broadcast_in_dim3A_382 = vector.broadcast %reduce_sum3A_381 : f32 to vector<1x128xf32>
        %broadcast_in_dim3A_383 = vector.broadcast %while3A : f32 to vector<1x128xf32>
        %select_n3A_384 = arith.select %eq3A_375, %broadcast_in_dim3A_382, %broadcast_in_dim3A_383 : vector<1x128xi1>, vector<1x128xf32>
        %add3A_385 = arith.addf %add3A_372, %select_n3A_384 : vector<1x128xf32>
        %eq3A_386 = arith.constant 6 : i32
        %eq3A_387 = vector.broadcast %eq3A_386 : i32 to vector<1x128xi32>
        %eq3A_388 = arith.cmpi eq, %iota3A_160, %eq3A_387 : vector<1x128xi32>
        %eq3A_389 = arith.constant 7 : i32
        %eq3A_390 = vector.broadcast %eq3A_389 : i32 to vector<1x128xi32>
        %eq3A_391 = arith.cmpi eq, %iota3A_160, %eq3A_390 : vector<1x128xi32>
        %or3A_392 = arith.ori %eq3A_388, %eq3A_391 : vector<1x128xi1>
        %broadcast_in_dim3A_393 = vector.broadcast %reduce_sum3A_308 : f32 to vector<1x128xf32>
        %broadcast_in_dim3A_394 = vector.broadcast %while3A : f32 to vector<1x128xf32>
        %select_n3A_395 = arith.select %or3A_392, %broadcast_in_dim3A_393, %broadcast_in_dim3A_394 : vector<1x128xi1>, vector<1x128xf32>
        %add3A_396 = arith.addf %add3A_385, %select_n3A_395 : vector<1x128xf32>
        %swap3A_397 = arith.index_cast %while3A_169 : i32 to index
        %swap3A_398 = arith.constant 0 : index
        %swap3A_399 = vector.load %arg8[%swap3A_397, %swap3A_398] : memref<100x128xf32, #tpu.memory_space<vmem>>, vector<1x128xf32>
        tpu.vector_store %arg8[%swap3A_397, %swap3A_398], %add3A_396 {strides = array<i32>} : memref<100x128xf32, #tpu.memory_space<vmem>>, vector<1x128xf32>,
        %mul3A_400 = arith.mulf %convert_element_type3A, %convert_element_type3A_195 : vector<8x128xf32>
        %reduce_sum3A_401 = vector.shape_cast %mul3A_400 : vector<8x128xf32> to vector<1x8x128xf32>
        %reduce_sum3A_402 = arith.constant dense<0.000000e+00> : vector<1xf32>
        %reduce_sum3A_403 = vector.multi_reduction <add>, %reduce_sum3A_401, %reduce_sum3A_402 [1, 2] : vector<1x8x128xf32> to vector<1xf32>
        %reduce_sum3A_404 = vector.shape_cast %reduce_sum3A_403 : vector<1xf32> to vector<1x1x1xf32>
        %reduce_sum3A_405 = vector.extract %reduce_sum3A_404[0, 0, 0] : f32 from vector<1x1x1xf32>
        %convert_element_type3A_406 = arith.fptosi %reduce_sum3A_405 : f32 to i32
        %broadcast_in_dim3A_407 = vector.broadcast %convert_element_type3A_406 : i32 to vector<1x128xi32>
        %swap3A_408 = arith.index_cast %while3A_169 : i32 to index
        %swap3A_409 = arith.constant 0 : index
        %swap3A_410 = vector.load %arg9[%swap3A_408, %swap3A_409] : memref<100x128xi32, #tpu.memory_space<vmem>>, vector<1x128xi32>
        tpu.vector_store %arg9[%swap3A_408, %swap3A_409], %broadcast_in_dim3A_407 {strides = array<i32>} : memref<100x128xi32, #tpu.memory_space<vmem>>, vector<1x128xi32>,
      } else {
      }
      %jit3A_283 = arith.constant 1 : i32
      %jit3A_284 = arith.constant 0 : i32
      %select_n3A_285 = arith.select %gt3A_181, %jit3A_283, %jit3A_284 : i32
      %add3A_286 = arith.addi %while3A_169, %select_n3A_285 : i32
      %not3A_287 = arith.constant true
      %not3A_288 = arith.xori %gt3A_181, %not3A_287 : i1
      %ge3A = arith.constant 100 : i32
      %ge3A_289 = arith.cmpi sge, %add3A_286, %ge3A : i32
      %or3A_290 = arith.ori %not3A_288, %ge3A_289 : i1
      %add3A_291 = arith.constant 1 : i32
      %add3A_292 = arith.addi %while3A_171, %add3A_291 : i32
      %ge3A_293 = arith.constant 1000 : i32
      %ge3A_294 = arith.cmpi sge, %add3A_292, %ge3A_293 : i32
      %or3A_295 = arith.ori %or3A_290, %ge3A_294 : i1
      %jit3A_296 = arith.constant 1 : i32
      %jit3A_297 = arith.constant 0 : i32
      %select_n3A_298 = arith.select %or3A_295, %jit3A_296, %jit3A_297 : i32
      %convert_element_type3A_299 = arith.extui %and3A_277 : vector<8x128xi1> to vector<8x128xi32>
      %convert_element_type3A_300 = arith.sitofp %convert_element_type3A_299 : vector<8x128xi32> to vector<8x128xf32>
      %add3A_301 = arith.constant 1 : i32
      %add3A_302 = arith.addi %while3A_171, %add3A_301 : i32
      scf.yield %convert_element_type3A_300, %add3A_286, %select_n3A_298, %add3A_302 : vector<8x128xf32>, i32, i32, i32
    }
    return
  }
}

</mosaic_0001>

<sc_bundles>
// kernel: kernel.6.cloned.1.call-start
scs
__scs_entry_jumppad:
0x0: {  	(pc) =	sbr.rel $0x88, $3  }
0x1: {  	(tag) =	ssettag $0x0;
	lr =	simm.s32 $0x1  }
0x2: {  	[smem:$0x3F9F] =	sst lr;
	_ =	strace $0xD0000000  }
0x3: {  	_ = 	snop  }
0x4: {  	_ = 	snop  }
0x5: {  	_ = 	snop  }
0x6: {  	_ = 	snop  }
0x7: {  	_ = 	snop  }
__scs_overlays_trampoline_lowered:
0x8: {  	[smem:$0x3FAE] =	sst s0  }
0x9: {  	[smem:$0x3FAF] =	sst s1  }
0xa: {  	[smem:$0x3FB0] =	sst s2  }
0xb: {  	[smem:$0x3FB1] =	sst s3  }
0xc: {  	[smem:$0x3FB2] =	sst s4  }
0xd: {  	[smem:$0x3FB3] =	sst s5  }
0xe: {  	[smem:$0x3FB4] =	sst s6  }
0xf: {  	[smem:$0x3FB5] =	sst s7  }
0x10: {  	[smem:$0x3FB6] =	sst s8  }
0x11: {  	[smem:$0x3FB7] =	sst s9;
	s0 =	simm.s32 @!p0 $0x0  }
0x12: {  	s1 =	sld [smem:$0x3F9D];
	s0 =	simm.s32 @p0 $0x1  }
0x13: {  	[smem:$0x3FB8] =	sst s0;
	s0 =	simm.s32 @!p1 $0x0  }
0x14: {  	s2 =	sld [smem:$0x3F9C];
	s0 =	simm.s32 @p1 $0x1  }
0x15: {  	[smem:$0x3FB9] =	sst s0;
	s0 =	simm.s32 @!p2 $0x0  }
0x16: {  	s3 =	sld [smem:$0x3FDB];
	s0 =	simm.s32 @p2 $0x1  }
0x17: {  	s4 =	simm.s32 $0x1BF5;
	[smem:$0x3FBB] =	sst s0  }
0x18: {  	s0 =	sld [smem:$0x3F9E];
	_ =	swait.ge [sflag:s4], $0x0  }
0x19: {  	s7 =	sld [smem:$0x3F9F]  }
0x1a: {  	s8 =	sadd.s32 $0xFFFFE003, lr  }
0x1b: {  	s9 =	sadd.s32 $0xFFFFFEF7, lr;
	s5 =	simm.s32 $0xFFFFFFFF;
	p2 =	slt.u32 s8, $0xFFFFF086  }
0x1c: {  	p1 =	slt.u32 s9, $0xF7A;
	s5 =	simm.s32 @!p2 $0x0  }
0x1d: {  	s5 =	simm.s32 @p1 $0x1;
	p0 =	seq.s32 s7, s2  }
0x1e: {  	s7 =	smul.u32 @!p0 $0xF7A, s2;
	p2 =	seq.s32 @!p0 s5, $0x0  }
0x1f: {  	s9 =	smul.u32 $0xF7A, s1;
	s8 =	simm.s32 @!p0 $0x1BF5;
	p2 =	por !p2, p0  }
0x20: {  	[sflag:s8] =	ssyncset.s32 @!p0 $0xFFFFF086;
	s6 =	sadd.s32 @!p0 s3, s7;
	s7 =	simm.s32 @!p0 $0x108  }
0x21: {  	s3 =	sadd.s32 s3, s9;
	s6 =	sadd.s32 @!p0 $0x88, s6;
	s7 =	simm.s32 @p2 $0x1082  }
0x22: {  	[simem:s7], [sflag:s8] =	dma.local @!p0 [hbm:s6], $0xF7A  }
0x23: {  	s9 =	sor.u32 $0xD0000000, s2;
	s6 =	simm.s32 $0x108;
	_ =	swait.ge @!p0 [sflag:s8], $0x0  }
0x24: {  	s3 =	sadd.s32 $0x88, s3;
	s6 =	simm.s32 @!p1 $0x1082;
	[sflag:s4] =	ssyncset.s32 $0xFFFFF086  }
0x25: {  	[simem:s6], [sflag:s4] =	dma.local [hbm:s3], $0xF7A  }
0x26: {  	[smem:$0x3F9F] =	sst s1;
	(tag) =	ssettag s2;
	_ =	strace s9  }
0x27: {  	s1 =	sld [smem:$0x3FAF]  }
0x28: {  	s2 =	sld [smem:$0x3FB0]  }
0x29: {  	s4 =	sld [smem:$0x3FB2]  }
0x2a: {  	p0 =	seq.s32 s5, $0x0;
	s5 =	sld [smem:$0x3FB3]  }
0x2b: {  	s6 =	sld [smem:$0x3FB4]  }
0x2c: {  	s7 =	sld [smem:$0x3FB5]  }
0x2d: {  	s3 =	simm.s32 $0x108;
	s8 =	sld [smem:$0x3FB6]  }
0x2e: {  	s3 =	simm.s32 @!p0 $0x1082;
	s9 =	sld [smem:$0x3FB7]  }
0x2f: {  	lr =	sadd.s32 s0, s3;
	s0 =	sld [smem:$0x3FAE]  }
0x30: {  	s3 =	sld [smem:$0x3FB1]  }
0x31: {  	[smem:$0x3FBA] =	sst s10  }
0x32: {  	s10 =	sld [smem:$0x3FB8];
	_ =	sdelay $0x3  }
0x33: {  	p0 =	seq.s32 s10, $0x1;
	s10 =	sld [smem:$0x3FBA];
	_ =	sdelay $0x3  }
0x34: {  	[smem:$0x3FBA] =	sst s10  }
0x35: {  	s10 =	sld [smem:$0x3FB9];
	_ =	sdelay $0x3  }
0x36: {  	p1 =	seq.s32 s10, $0x1;
	s10 =	sld [smem:$0x3FBA];
	_ =	sdelay $0x3  }
0x37: {  	[smem:$0x3FBA] =	sst s10  }
0x38: {  	s10 =	sld [smem:$0x3FBB]  }
0x39: {  	_ = 	snop;
	(pc) =	sbr.ind lr, $3  }
0x3a: {  	_ = 	snop  }
0x3b: {  	_ = 	snop  }
0x3c: {  	p2 =	seq.s32 s10, $0x1;
	s10 =	sld [smem:$0x3FBA]  }
0x3d: {  	_ =	shalt  }
0x3e: {  	_ =	shalt  }
0x3f: {  	_ =	shalt  }
0x40: {  	_ =	shalt  }
0x41: {  	_ =	shalt  }
0x42: {  	_ =	shalt  }
0x43: {  	_ =	shalt  }
0x44: {  	_ =	shalt  }
0x45: {  	_ =	shalt  }
0x46: {  	_ =	shalt  }
0x47: {  	_ =	shalt  }
0x48: {  	_ =	shalt  }
0x49: {  	_ =	shalt  }
0x4a: {  	_ =	shalt  }
0x4b: {  	_ =	shalt  }
0x4c: {  	_ =	shalt  }
0x4d: {  	_ =	shalt  }
0x4e: {  	_ =	shalt  }
0x4f: {  	_ =	shalt  }
0x50: {  	_ =	shalt  }
0x51: {  	_ =	shalt  }
0x52: {  	_ =	shalt  }
0x53: {  	_ =	shalt  }
0x54: {  	_ =	shalt  }
0x55: {  	_ =	shalt  }
0x56: {  	_ =	shalt  }
0x57: {  	_ =	shalt  }
0x58: {  	_ =	shalt  }
0x59: {  	_ =	shalt  }
0x5a: {  	_ =	shalt  }
0x5b: {  	_ =	shalt  }
0x5c: {  	_ =	shalt  }
0x5d: {  	_ =	shalt  }
0x5e: {  	_ =	shalt  }
0x5f: {  	_ =	shalt  }
0x60: {  	_ =	shalt  }
0x61: {  	_ =	shalt  }
0x62: {  	_ =	shalt  }
0x63: {  	_ =	shalt  }
0x64: {  	_ =	shalt  }
0x65: {  	_ =	shalt  }
0x66: {  	_ =	shalt  }
0x67: {  	_ =	shalt  }
0x68: {  	_ =	shalt  }
0x69: {  	_ =	shalt  }
0x6a: {  	_ =	shalt  }
0x6b: {  	_ =	shalt  }
0x6c: {  	_ =	shalt  }
0x6d: {  	_ =	shalt  }
0x6e: {  	_ =	shalt  }
0x6f: {  	_ =	shalt  }
0x70: {  	_ =	shalt  }
0x71: {  	_ =	shalt  }
0x72: {  	_ =	shalt  }
0x73: {  	_ =	shalt  }
0x74: {  	_ =	shalt  }
0x75: {  	_ =	shalt  }
0x76: {  	_ =	shalt  }
0x77: {  	_ =	shalt  }
0x78: {  	_ =	shalt  }
0x79: {  	_ =	shalt  }
0x7a: {  	_ =	shalt  }
0x7b: {  	_ =	shalt  }
0x7c: {  	_ =	shalt  }
0x7d: {  	_ =	shalt  }
0x7e: {  	_ =	shalt  }
0x7f: {  	_ =	shalt  }
0x80: {  	_ =	shalt  }
0x81: {  	_ =	shalt  }
0x82: {  	_ =	shalt  }
0x83: {  	_ =	shalt  }
0x84: {  	_ =	shalt  }
0x85: {  	_ =	shalt  }
0x86: {  	_ =	shalt  }
0x87: {  	_ =	shalt  }
.Lfunc_end0:
.L_simem_size_0:
called_computation_lowered:
.L_overlay_start_0:
0x88: {  	s2 =	sld [smem:$0x3FD9]  }
0x89: {  	s3 =	sld [smem:$0x3FFE];
	_ =	sdelay $0x1  }
0x8a: {  	s1 =	srdreg.scid  }
0x8b: {  	s0 =	sand.u32 $0x1, s1  }
0x8c: {  	s16 =	sshll.u32 s0, $0xA;
	s2 =	sadd.s32 s3, s2  }
0x8d: {  	s2 =	sadd.s32 s2, s16  }
0x8e: {  	[smem:$0x3FC6] =	sst s2  }
0x8f: {  	_ = 	snop  }
0x90: {  	(tm) =	ssettm $0x1  }
0x91: {  	s17 =	sld [smem:$0x3FFB];
	_ =	sdelay $0x3  }
0x92: {  	_ =	strace s17  }
0x93: {  	s2 =	sld [smem:$0x3FFC];
	_ =	sdelay $0x3  }
0x94: {  	_ =	strace s2  }
0x95: {  	s2 =	sld [smem:$0x3FFD];
	_ =	sdelay $0x3  }
0x96: {  	_ =	strace s2  }
0x97: {  	_ =	strace $0x8FFFFFFF  }
0x98: {  	s18 =	sld [smem:$0x3FDB];
	_ =	sdelay $0x1  }
0x99: {  	s19 =	simm.s32 $_scs_section_size  }
0x9a: {  	s4 =	simm.s32 $_size__tile_overlayer_lowered;
	s5 =	simm.s32 $_tile_overlayer_lowered  }
0x9b: {  	s22 =	simm.s32 $0x1BFF;
	s21 =	sshll.u32 s5, $0x1;
	s2 =	sadd.s32 s19, s18  }
0x9c: {  	s6 =	simm.s32 $0x0;
	s20 =	sshll.u32 s4, $0x1;
	s4 =	sadd.s32 s21, s2  }
0x9d: {  	[timem:s6], [sflag:s22] =	dma.local [hbm:s4], s20  }
0x9e: {  	_ =	swait.ge [sflag:s22], s20  }
0x9f: {  	s3 =	ssub.s32 $0x0, s20;
	[sflag:s22] =	ssyncset.done $0x0  }
0xa0: {  	[sflag:s22] =	ssyncadd.s32 s3;
	_ =	sdelay $0x1  }
0xa1: {  	s23 =	simm.s32 $0x1B8B  }
0xa2: {  	_ =	swait.ge [sflag:s23], $0x1  }
0xa3: {  	[sflag:s23] =	ssyncset.done $0x0  }
0xa4: {  	s25 =	simm.s32 $0x1B8E;
	s24 =	sld [smem:$0x3FFE];
	[sflag:s23] =	ssyncadd.s32 $0xFFFFFFFF  }
0xa5: {  	s26 =	simm.s32 $execute0_lowered;
	[smem:$0x3FD2] =	sst s25  }
0xa6: {  	s4 =	sshll.u32 s26, $0x1;
	_ =	strace $0x80000046;
	[dreg:$0x1] =	wrdreg $0xFFFFFFFF  }
0xa7: {  	s28 =	simm.s32 $_size_execute0_lowered;
	s2 =	sadd.s32 s2, s4;
	[dreg:$0x0] =	wrdreg $0x0  }
0xa8: {  	s4 =	sshll.u32 s28, $0x1;
	[dreg:$0x2] =	wrdreg s2  }
0xa9: {  	[dreg:$0x3] =	wrdreg s4  }
0xaa: {  	[dreg:$0x4] =	wrdreg $0xC0  }
0xab: {  	_ =	task [dreg:s6], $0x5FFFF  }
0xac: {  	[dreg:$0x1] =	wrdreg $0xFFFFFFFF  }
0xad: {  	[dreg:$0x0] =	wrdreg $0x60  }
0xae: {  	[dreg:$0x2] =	wrdreg s24  }
0xaf: {  	[dreg:$0x3] =	wrdreg $0x9  }
0xb0: {  	_ =	task.clear_ibuf [dreg:s6], $0x4FFFF;
	_ =	strace $0x90000046  }
0xb1: {  	s29 =	simm.s32 $0x9;
	_ =	strace $0x80000048  }
0xb2: {  	_ =	swait.ge [sflag:s29], $0x1  }
0xb3: {  	[sflag:s29] =	ssyncadd.s32 $0xFFFFFFFF  }
0xb4: {  	_ =	strace $0x90000048  }
0xb5: {  	_ =	sfence  }
0xb6: {  	s30 =	sld [smem:$0x0];
	_ =	sdelay $0x2  }
0xb7: {  	s31 =	sshll.u32 s1, $0xD;
	s1 =	sshrl.u32 s1, $0x2  }
0xb8: {  	s3 =	sand.u32 $0x4000, s31;
	s1 =	sadd.s32 s1, s30  }
0xb9: {  	s0 =	sor.u32 s3, s0;
	s1 =	sshll.u32 s1, $0x11  }
0xba: {  	s0 =	sor.u32 s1, s0  }
0xbb: {  	s0 =	sadd.s32 $0x8F2B, s0  }
0xbc: {  	[sflag:s0] =	ssyncadd.remote.s32 $0x1  }
0xbd: {  	_ =	sfence.sel $0xFFFF  }
0xbe: {  	[dreg:$0x0] =	wrdreg $0xFFFFFFFF;
	(pc) =	sbr.abs _section_cstart, $3  }
0xbf: {  	[dreg:$0x1] =	wrdreg $0xFFFFFFFF  }
0xc0: {  	_ =	task.clear_ibuf [dreg:s6], $0x2FFFF;
	_ =	strace $0x9FFFFFFF  }
0xc1: {  	(tm) =	ssettm $0x7FFFFFFF  }
tec
execute0_lowered:
.L_overlay_start_1:
0x0: {  	(tag) =	ssettag $0x1  }
0x1: {  	s1 =	srdreg.scid  }
0x2: {  	s0 =	stileid.u32;
	s4 =	rddreg [dreg:$0x0];
	s3 =	simm.s32 $0x0  }
0x3: {  	s2 =	sand.u32 $0x1, s1;
	s5 =	sshll.u32 s0, $0x1;
	s1 =	rddreg [dreg:$0x1]  }
0x4: {  	[smem:$0x7FF] =	sst s3;
	s6 =	sor.u32 s2, s5;
	s19 =	ssub.s32 $0x2, s2  }
0x5: {  	_ =	strace $0x80000047;
	s7 =	smul.u32 $0x280, s6;
	s8 =	sshrl.u32 s19, $0x1  }
0x6: {  	s2 =	sadd.s32 $0xA00, s4;
	s5 =	simm.s32 $0x2;
	s8 =	ssub.s32 s19, s8  }
0x7: {  	s9 =	sshrl.u32 s7, $0x3;
	s20 =	sor.u32 $0x10, s7;
	s21 =	sor.u32 $0x20, s7  }
0x8: {  	s10 =	sor.u32 $0x30, s7;
	s11 =	sor.u32 $0x40, s7;
	s12 =	sor.u32 $0x50, s7  }
0x9: {  	s13 =	sor.u32 $0x60, s7;
	s14 =	sor.u32 $0x70, s7;
	s15 =	sadd.s32 $0x80, s7  }
0xa: {  	v39 =	vlaneseq.u32;
	s16 =	sadd.s32 $0x90, s7;
	s17 =	sadd.s32 $0xA0, s7;
	s18 =	sadd.s32 $0xB0, s7  }
0xb: {  	s19 =	sadd.s32 $0xC0, s7;
	s22 =	sadd.s32 $0xD0, s7;
	v25 =	vor.u32 s7, v39;
	s4 =	sadd.s32 s4, s9  }
0xc: {  	v0 =	vor.u32 s20, v39;
	v1 =	vor.u32 s21, v39;
	v2 =	vor.u32 s10, v39;
	[tilespmem:s3], [sflag:$0x2] =	stream.linear.gather [hbm4b:s4+s3], $0x280, $0x38;
	[tilespmem:$0x540] =	vst v63  }
0xd: {  	s23 =	sadd.s32 $0xE0, s7;
	s24 =	sadd.s32 $0xF0, s7;
	v3 =	vor.u32 s11, v39;
	v4 =	vor.u32 s12, v39;
	v5 =	vor.u32 s13, v39;
	_ =	swait.ge [sflag:s5], $0x280  }
0xe: {  	s25 =	sadd.s32 $0x270, s7;
	s26 =	sadd.s32 $0x100, s7;
	v6 =	vor.u32 s14, v39;
	v7 =	vor.u32 s15, v39;
	v8 =	vor.u32 s16, v39;
	[sflag:s5] =	ssyncset.done $0x0  }
0xf: {  	s28 =	sadd.s32 $0x260, s7;
	s29 =	sadd.s32 $0x110, s7;
	v9 =	vor.u32 s17, v39;
	v10 =	vor.u32 s18, v39;
	v16 =	vor.u32 s25, v39;
	[sflag:s5] =	ssyncadd.s32 $0xFFFFFD80  }
0x10: {  	s30 =	sadd.s32 $0x120, s7;
	s31 =	sadd.s32 $0x250, s7;
	s8 =	smax.u32 s8, $0x1;
	v11 =	vor.u32 s19, v39;
	v12 =	vor.u32 s22, v39;
	v19 =	vor.u32 s28, v39;
	[tilespmem:$0x4F0] =	vst v16  }
0x11: {  	v13 =	vor.u32 s23, v39;
	v15 =	vor.u32 s24, v39;
	s14 =	sadd.s32 $0x130, s7;
	s15 =	sadd.s32 $0x140, s7;
	v22 =	vor.u32 s31, v39;
	s16 =	sadd.s32 $0x240, s7;
	[tilespmem:$0x4E0] =	vst v19  }
0x12: {  	v14 =	vor.u32 s26, v39;
	v17 =	vor.u32 s29, v39;
	s17 =	sadd.s32 $0x150, s7;
	s19 =	sadd.s32 $0x230, s7;
	s8 =	sadd.s32 $0xFFFFFFFF, s8;
	v24 =	vor.u32 s16, v39;
	[tilespmem:$0x4D0] =	vst v22  }
0x13: {  	v18 =	vor.u32 s30, v39;
	s18 =	sadd.s32 $0x160, s7;
	s22 =	sadd.s32 $0x220, s7;
	v20 =	vor.u32 s14, v39;
	v27 =	vor.u32 s19, v39;
	p1 =	sne.s32 s8, $0x0;
	[tilespmem:$0x4C0] =	vst v24  }
.Ltmp0:
0x14: {  	s20 =	sadd.s32 $0x170, s7;
	s25 =	sadd.s32 $0x210, s7;
	v21 =	vor.u32 s15, v39;
	v23 =	vor.u32 s17, v39;
	v30 =	vor.u32 s22, v39;
	[tilespmem:$0x4B0] =	vst v27;
	(pc) =	sbr.rel @!p1 .LBB2_2-.Ltmp0, $4  }
0x15: {  	s21 =	sadd.s32 $0x180, s7;
	s23 =	sadd.s32 $0x190, s7;
	s28 =	sadd.s32 $0x200, s7;
	v26 =	vor.u32 s18, v39;
	v28 =	vor.u32 s20, v39;
	v33 =	vor.u32 s25, v39;
	[tilespmem:$0x4A0] =	vst v30  }
0x16: {  	s24 =	sadd.s32 $0x1A0, s7;
	s26 =	sadd.s32 $0x1B0, s7;
	s30 =	sadd.s32 $0x1F0, s7;
	v29 =	vor.u32 s21, v39;
	v31 =	vor.u32 s23, v39;
	v35 =	vor.u32 s28, v39;
	[tilespmem:$0x490] =	vst v33  }
0x17: {  	s29 =	sadd.s32 $0x1C0, s7;
	s31 =	sadd.s32 $0x1D0, s7;
	s7 =	sadd.s32 $0x1E0, s7;
	v32 =	vor.u32 s24, v39;
	v34 =	vor.u32 s26, v39;
	v36 =	vor.u32 s30, v39;
	[tilespmem:$0x480] =	vst v35  }
0x18: {  	p0 =	sne.s32 s6, $0x0;
	s6 =	simm.s32 $0x1;
	v37 =	vor.u32 s29, v39;
	v38 =	vor.u32 s31, v39;
	v39 =	vor.u32 s7, v39;
	s7 =	simm.s32 $0x280;
	[tilespmem:$0x470] =	vst v36  }
.LBB2_1:
0x19: {  	s8 =	sadd.s32 $0xFFFFFFFF, s8;
	[tilespmem:$0x460] =	vst v39  }
0x1a: {  	p1 =	sne.s32 s8, $0x0;
	[tilespmem:$0x450] =	vst v38  }
0x1b: {  	[tilespmem:$0x440] =	vst v37  }
0x1c: {  	[tilespmem:$0x430] =	vst v34  }
0x1d: {  	[tilespmem:$0x420] =	vst v32  }
0x1e: {  	[tilespmem:$0x410] =	vst v31  }
0x1f: {  	[tilespmem:$0x400] =	vst v29  }
0x20: {  	[tilespmem:$0x3F0] =	vst v28  }
0x21: {  	[tilespmem:$0x3E0] =	vst v26  }
0x22: {  	[tilespmem:$0x3D0] =	vst v23  }
0x23: {  	[tilespmem:$0x3C0] =	vst v21  }
0x24: {  	[tilespmem:$0x3B0] =	vst v20  }
0x25: {  	[tilespmem:$0x3A0] =	vst v18  }
0x26: {  	[tilespmem:$0x390] =	vst v17  }
0x27: {  	[tilespmem:$0x370] =	vst v15  }
0x28: {  	[tilespmem:$0x360] =	vst v13  }
0x29: {  	[tilespmem:$0x350] =	vst v12  }
0x2a: {  	[tilespmem:$0x340] =	vst v11  }
0x2b: {  	[tilespmem:$0x330] =	vst v10  }
0x2c: {  	[tilespmem:$0x320] =	vst v9  }
0x2d: {  	[tilespmem:$0x310] =	vst v8  }
0x2e: {  	[tilespmem:$0x300] =	vst v7  }
0x2f: {  	[tilespmem:$0x380] =	vst v14  }
0x30: {  	[tilespmem:$0x2F0] =	vst v6  }
0x31: {  	[tilespmem:$0x2E0] =	vst v5  }
0x32: {  	[tilespmem:$0x2D0] =	vst v4  }
0x33: {  	[tilespmem:$0x2C0] =	vst v3  }
0x34: {  	[tilespmem:$0x2B0] =	vst v2  }
0x35: {  	[tilespmem:$0x2A0] =	vst v1  }
0x36: {  	[tilespmem:$0x280] =	vst v25  }
0x37: {  	[tilespmem:$0x290] =	vst v0  }
0x38: {  	[hbm4b:s2+s7] =	stream.indirect.scatter [tilespmem:s7], [sflag:$0x1], $0x1, s3, s7, $0xb8;
	[tilespmem:$0x540] =	vst v63  }
0x39: {  	_ =	swait.ge [sflag:s6], $0x280  }
0x3a: {  	v40 =	vlaneseq.u32 @!p0;
	[sflag:s6] =	ssyncset.done $0x0  }
0x3b: {  	v41 =	vadd.s32 @!p0 $0x3E8, v40;
	[sflag:s6] =	ssyncadd.s32 $0xFFFFFD80  }
0x3c: {  	[tilespmem:$0x500] =	vst @!p0 v41;
	v41 =	vimm.s32 @!p0 $0x0  }
0x3d: {  	v40 =	vadd.s32 @!p0 $0x3F8, v40;
	[tilespmem:$0x530] =	vst @!p0 v41  }
0x3e: {  	s9 =	simm.s32 @!p0 $0x20;
	s10 =	simm.s32 @!p0 $0x500;
	s11 =	simm.s32 @!p0 $0x520;
	[tilespmem:$0x520] =	vst @!p0 v41  }
0x3f: {  	s12 =	simm.s32 @!p0 $0x1;
	[tilespmem:$0x510] =	vst @!p0 v40  }
0x40: {  	[hbm4b:s2+s9] =	stream.indirect.scatter @!p0 [tilespmem:s11], [sflag:$0x1], $0x1, s10, s9, $0xb8;
	[tilespmem:$0x540] =	vst v63  }
0x41: {  	_ =	swait.ge @!p0 [sflag:s12], $0x20  }
0x42: {  	[sflag:s12] =	ssyncset.done @!p0 $0x0  }
0x43: {  	[sflag:s12] =	ssyncadd.s32 @!p0 $0xFFFFFFE0  }
0x44: {  	[tilespmem:s3], [sflag:$0x2] =	stream.linear.gather [hbm4b:s4+s3], $0x280, $0x38;
	[tilespmem:$0x540] =	vst v63  }
0x45: {  	_ =	swait.ge [sflag:s5], $0x280  }
0x46: {  	[sflag:s5] =	ssyncset.done $0x0  }
0x47: {  	[sflag:s5] =	ssyncadd.s32 $0xFFFFFD80  }
0x48: {  	[tilespmem:$0x4F0] =	vst v16  }
0x49: {  	[tilespmem:$0x4E0] =	vst v19  }
0x4a: {  	[tilespmem:$0x4D0] =	vst v22  }
0x4b: {  	[tilespmem:$0x4C0] =	vst v24  }
.Ltmp1:
0x4c: {  	[tilespmem:$0x4B0] =	vst v27;
	(pc) =	sbr.rel @p1 .LBB2_1-.Ltmp1, $4  }
0x4d: {  	[tilespmem:$0x4A0] =	vst v30  }
0x4e: {  	[tilespmem:$0x490] =	vst v33  }
0x4f: {  	[tilespmem:$0x480] =	vst v35  }
0x50: {  	[tilespmem:$0x470] =	vst v36  }
.LBB2_2:
0x51: {  	[tilespmem:$0x460] =	vst v39  }
0x52: {  	[tilespmem:$0x450] =	vst v38  }
0x53: {  	[tilespmem:$0x440] =	vst v37  }
0x54: {  	[tilespmem:$0x430] =	vst v34  }
0x55: {  	[tilespmem:$0x420] =	vst v32  }
0x56: {  	[tilespmem:$0x410] =	vst v31  }
0x57: {  	[tilespmem:$0x400] =	vst v29  }
0x58: {  	[tilespmem:$0x3F0] =	vst v28  }
0x59: {  	[tilespmem:$0x3E0] =	vst v26  }
0x5a: {  	[tilespmem:$0x3D0] =	vst v23  }
0x5b: {  	[tilespmem:$0x3C0] =	vst v21  }
0x5c: {  	[tilespmem:$0x3B0] =	vst v20  }
0x5d: {  	[tilespmem:$0x3A0] =	vst v18  }
0x5e: {  	[tilespmem:$0x390] =	vst v17  }
0x5f: {  	[tilespmem:$0x370] =	vst v15  }
0x60: {  	[tilespmem:$0x360] =	vst v13  }
0x61: {  	[tilespmem:$0x350] =	vst v12  }
0x62: {  	[tilespmem:$0x340] =	vst v11  }
0x63: {  	[tilespmem:$0x330] =	vst v10  }
0x64: {  	[tilespmem:$0x320] =	vst v9  }
0x65: {  	[tilespmem:$0x310] =	vst v8  }
0x66: {  	[tilespmem:$0x300] =	vst v7  }
0x67: {  	[tilespmem:$0x380] =	vst v14  }
0x68: {  	[tilespmem:$0x2F0] =	vst v6  }
0x69: {  	[tilespmem:$0x2E0] =	vst v5  }
0x6a: {  	[tilespmem:$0x2D0] =	vst v4  }
0x6b: {  	[tilespmem:$0x2C0] =	vst v3  }
0x6c: {  	[tilespmem:$0x2B0] =	vst v2  }
0x6d: {  	[tilespmem:$0x2A0] =	vst v1  }
0x6e: {  	[tilespmem:$0x280] =	vst v25  }
0x6f: {  	[tilespmem:$0x290] =	vst v0  }
0x70: {  	[hbm4b:s2+s7] =	stream.indirect.scatter [tilespmem:s7], [sflag:$0x1], $0x1, s3, s7, $0xb8;
	[tilespmem:$0x540] =	vst v63  }
0x71: {  	_ =	swait.ge [sflag:s6], $0x280  }
0x72: {  	v0 =	vlaneseq.u32 @!p0;
	[sflag:s6] =	ssyncset.done $0x0  }
0x73: {  	v1 =	vadd.s32 @!p0 $0x3E8, v0;
	[sflag:s6] =	ssyncadd.s32 $0xFFFFFD80  }
0x74: {  	v0 =	vadd.s32 @!p0 $0x3F8, v0;
	[tilespmem:$0x500] =	vst @!p0 v1  }
0x75: {  	v1 =	vimm.s32 @!p0 $0x0;
	[tilespmem:$0x510] =	vst @!p0 v0  }
0x76: {  	s4 =	simm.s32 @!p0 $0x500;
	[tilespmem:$0x530] =	vst @!p0 v1  }
0x77: {  	s5 =	simm.s32 @!p0 $0x520;
	s3 =	simm.s32 @!p0 $0x20;
	s6 =	simm.s32 @!p0 $0x1;
	[tilespmem:$0x520] =	vst @!p0 v1  }
0x78: {  	[hbm4b:s2+s3] =	stream.indirect.scatter @!p0 [tilespmem:s5], [sflag:$0x1], $0x1, s4, s3, $0xb8;
	[tilespmem:$0x540] =	vst v63  }
0x79: {  	_ =	swait.ge @!p0 [sflag:s6], $0x20  }
0x7a: {  	[sflag:s6] =	ssyncset.done @!p0 $0x0  }
0x7b: {  	[sflag:s6] =	ssyncadd.s32 @!p0 $0xFFFFFFE0  }
0x7c: {  	_ =	sfence.sel $0x180000  }
0x7d: {  	[bflag:$0x0] =	sbarrier.arrive $0xFFFF  }
0x7e: {  	p0 =	sne.s32 s0, $0x0;
	_ =	strace $0x90000047  }
0x7f: {  	s0 =	sadd.s32 @!p0 $0x100000, s1;
	[bflag:$0x2] =	sbarrier.arrive $0xFFFF  }
0x80: {  	[sflag:s0] =	ssyncadd.tile.s32 @!p0 $0x1;
	_ =	shalt  }
.Lfunc_end2:
_tile_overlayer_lowered:
.L_overlay_start_2:
0x81: {  	(tag) =	ssettag $0x2  }
0x82: {  	s0 =	rddreg [dreg:$0x0];
	s2 =	stileid.u32  }
0x83: {  	s1 =	rddreg [dreg:$0x1];
	p0 =	sne.s32 s2, $0x0  }
0x84: {  	s3 =	rddreg [dreg:$0x2];
	[bflag:$0x3] =	sbarrier.arrive $0xFFFF;
	s2 =	simm.s32 @!p0 $0x1C02  }
0x85: {  	[timem:s3], [sflag:s2] =	dma.local @!p0 [hbm:s0], s1  }
0x86: {  	s0 =	simm.s32 @!p0 $0x2  }
0x87: {  	_ =	swait.ge @!p0 [sflag:s0], s1  }
0x88: {  	s1 =	ssub.s32 @!p0 $0x0, s1;
	[sflag:s0] =	ssyncset.done @!p0 $0x0  }
0x89: {  	[sflag:s0] =	ssyncadd.s32 @!p0 s1  }
0x8a: {  	[bflag:$0x3] =	sbarrier.arrive $0xFFFF  }
0x8b: {  	_ =	shalt  }

// kernel: kernel.9.cloned.1.call-start
scs
__scs_entry_jumppad:
0x0: {  	(pc) =	sbr.rel $0x88, $3  }
0x1: {  	(tag) =	ssettag $0x0;
	lr =	simm.s32 $0x1  }
0x2: {  	[smem:$0x3F9F] =	sst lr;
	_ =	strace $0xD0000000  }
0x3: {  	_ = 	snop  }
0x4: {  	_ = 	snop  }
0x5: {  	_ = 	snop  }
0x6: {  	_ = 	snop  }
0x7: {  	_ = 	snop  }
__scs_overlays_trampoline_lowered:
0x8: {  	[smem:$0x3FAE] =	sst s0  }
0x9: {  	[smem:$0x3FAF] =	sst s1  }
0xa: {  	[smem:$0x3FB0] =	sst s2  }
0xb: {  	[smem:$0x3FB1] =	sst s3  }
0xc: {  	[smem:$0x3FB2] =	sst s4  }
0xd: {  	[smem:$0x3FB3] =	sst s5  }
0xe: {  	[smem:$0x3FB4] =	sst s6  }
0xf: {  	[smem:$0x3FB5] =	sst s7  }
0x10: {  	[smem:$0x3FB6] =	sst s8  }
0x11: {  	[smem:$0x3FB7] =	sst s9;
	s0 =	simm.s32 @!p0 $0x0  }
0x12: {  	s1 =	sld [smem:$0x3F9D];
	s0 =	simm.s32 @p0 $0x1  }
0x13: {  	[smem:$0x3FB8] =	sst s0;
	s0 =	simm.s32 @!p1 $0x0  }
0x14: {  	s2 =	sld [smem:$0x3F9C];
	s0 =	simm.s32 @p1 $0x1  }
0x15: {  	[smem:$0x3FB9] =	sst s0;
	s0 =	simm.s32 @!p2 $0x0  }
0x16: {  	s3 =	sld [smem:$0x3FDB];
	s0 =	simm.s32 @p2 $0x1  }
0x17: {  	s4 =	simm.s32 $0x1BF5;
	[smem:$0x3FBB] =	sst s0  }
0x18: {  	s0 =	sld [smem:$0x3F9E];
	_ =	swait.ge [sflag:s4], $0x0  }
0x19: {  	s7 =	sld [smem:$0x3F9F]  }
0x1a: {  	s8 =	sadd.s32 $0xFFFFE003, lr  }
0x1b: {  	s9 =	sadd.s32 $0xFFFFFEF7, lr;
	s5 =	simm.s32 $0xFFFFFFFF;
	p2 =	slt.u32 s8, $0xFFFFF086  }
0x1c: {  	p1 =	slt.u32 s9, $0xF7A;
	s5 =	simm.s32 @!p2 $0x0  }
0x1d: {  	s5 =	simm.s32 @p1 $0x1;
	p0 =	seq.s32 s7, s2  }
0x1e: {  	s7 =	smul.u32 @!p0 $0xF7A, s2;
	p2 =	seq.s32 @!p0 s5, $0x0  }
0x1f: {  	s9 =	smul.u32 $0xF7A, s1;
	s8 =	simm.s32 @!p0 $0x1BF5;
	p2 =	por !p2, p0  }
0x20: {  	[sflag:s8] =	ssyncset.s32 @!p0 $0xFFFFF086;
	s6 =	sadd.s32 @!p0 s3, s7;
	s7 =	simm.s32 @!p0 $0x108  }
0x21: {  	s3 =	sadd.s32 s3, s9;
	s6 =	sadd.s32 @!p0 $0x88, s6;
	s7 =	simm.s32 @p2 $0x1082  }
0x22: {  	[simem:s7], [sflag:s8] =	dma.local @!p0 [hbm:s6], $0xF7A  }
0x23: {  	s9 =	sor.u32 $0xD0000000, s2;
	s6 =	simm.s32 $0x108;
	_ =	swait.ge @!p0 [sflag:s8], $0x0  }
0x24: {  	s3 =	sadd.s32 $0x88, s3;
	s6 =	simm.s32 @!p1 $0x1082;
	[sflag:s4] =	ssyncset.s32 $0xFFFFF086  }
0x25: {  	[simem:s6], [sflag:s4] =	dma.local [hbm:s3], $0xF7A  }
0x26: {  	[smem:$0x3F9F] =	sst s1;
	(tag) =	ssettag s2;
	_ =	strace s9  }
0x27: {  	s1 =	sld [smem:$0x3FAF]  }
0x28: {  	s2 =	sld [smem:$0x3FB0]  }
0x29: {  	s4 =	sld [smem:$0x3FB2]  }
0x2a: {  	p0 =	seq.s32 s5, $0x0;
	s5 =	sld [smem:$0x3FB3]  }
0x2b: {  	s6 =	sld [smem:$0x3FB4]  }
0x2c: {  	s7 =	sld [smem:$0x3FB5]  }
0x2d: {  	s3 =	simm.s32 $0x108;
	s8 =	sld [smem:$0x3FB6]  }
0x2e: {  	s3 =	simm.s32 @!p0 $0x1082;
	s9 =	sld [smem:$0x3FB7]  }
0x2f: {  	lr =	sadd.s32 s0, s3;
	s0 =	sld [smem:$0x3FAE]  }
0x30: {  	s3 =	sld [smem:$0x3FB1]  }
0x31: {  	[smem:$0x3FBA] =	sst s10  }
0x32: {  	s10 =	sld [smem:$0x3FB8];
	_ =	sdelay $0x3  }
0x33: {  	p0 =	seq.s32 s10, $0x1;
	s10 =	sld [smem:$0x3FBA];
	_ =	sdelay $0x3  }
0x34: {  	[smem:$0x3FBA] =	sst s10  }
0x35: {  	s10 =	sld [smem:$0x3FB9];
	_ =	sdelay $0x3  }
0x36: {  	p1 =	seq.s32 s10, $0x1;
	s10 =	sld [smem:$0x3FBA];
	_ =	sdelay $0x3  }
0x37: {  	[smem:$0x3FBA] =	sst s10  }
0x38: {  	s10 =	sld [smem:$0x3FBB]  }
0x39: {  	_ = 	snop;
	(pc) =	sbr.ind lr, $3  }
0x3a: {  	_ = 	snop  }
0x3b: {  	_ = 	snop  }
0x3c: {  	p2 =	seq.s32 s10, $0x1;
	s10 =	sld [smem:$0x3FBA]  }
0x3d: {  	_ =	shalt  }
0x3e: {  	_ =	shalt  }
0x3f: {  	_ =	shalt  }
0x40: {  	_ =	shalt  }
0x41: {  	_ =	shalt  }
0x42: {  	_ =	shalt  }
0x43: {  	_ =	shalt  }
0x44: {  	_ =	shalt  }
0x45: {  	_ =	shalt  }
0x46: {  	_ =	shalt  }
0x47: {  	_ =	shalt  }
0x48: {  	_ =	shalt  }
0x49: {  	_ =	shalt  }
0x4a: {  	_ =	shalt  }
0x4b: {  	_ =	shalt  }
0x4c: {  	_ =	shalt  }
0x4d: {  	_ =	shalt  }
0x4e: {  	_ =	shalt  }
0x4f: {  	_ =	shalt  }
0x50: {  	_ =	shalt  }
0x51: {  	_ =	shalt  }
0x52: {  	_ =	shalt  }
0x53: {  	_ =	shalt  }
0x54: {  	_ =	shalt  }
0x55: {  	_ =	shalt  }
0x56: {  	_ =	shalt  }
0x57: {  	_ =	shalt  }
0x58: {  	_ =	shalt  }
0x59: {  	_ =	shalt  }
0x5a: {  	_ =	shalt  }
0x5b: {  	_ =	shalt  }
0x5c: {  	_ =	shalt  }
0x5d: {  	_ =	shalt  }
0x5e: {  	_ =	shalt  }
0x5f: {  	_ =	shalt  }
0x60: {  	_ =	shalt  }
0x61: {  	_ =	shalt  }
0x62: {  	_ =	shalt  }
0x63: {  	_ =	shalt  }
0x64: {  	_ =	shalt  }
0x65: {  	_ =	shalt  }
0x66: {  	_ =	shalt  }
0x67: {  	_ =	shalt  }
0x68: {  	_ =	shalt  }
0x69: {  	_ =	shalt  }
0x6a: {  	_ =	shalt  }
0x6b: {  	_ =	shalt  }
0x6c: {  	_ =	shalt  }
0x6d: {  	_ =	shalt  }
0x6e: {  	_ =	shalt  }
0x6f: {  	_ =	shalt  }
0x70: {  	_ =	shalt  }
0x71: {  	_ =	shalt  }
0x72: {  	_ =	shalt  }
0x73: {  	_ =	shalt  }
0x74: {  	_ =	shalt  }
0x75: {  	_ =	shalt  }
0x76: {  	_ =	shalt  }
0x77: {  	_ =	shalt  }
0x78: {  	_ =	shalt  }
0x79: {  	_ =	shalt  }
0x7a: {  	_ =	shalt  }
0x7b: {  	_ =	shalt  }
0x7c: {  	_ =	shalt  }
0x7d: {  	_ =	shalt  }
0x7e: {  	_ =	shalt  }
0x7f: {  	_ =	shalt  }
0x80: {  	_ =	shalt  }
0x81: {  	_ =	shalt  }
0x82: {  	_ =	shalt  }
0x83: {  	_ =	shalt  }
0x84: {  	_ =	shalt  }
0x85: {  	_ =	shalt  }
0x86: {  	_ =	shalt  }
0x87: {  	_ =	shalt  }
.Lfunc_end0:
.L_simem_size_0:
called_computation.1_lowered:
.L_overlay_start_0:
0x88: {  	s2 =	sld [smem:$0x3FD9]  }
0x89: {  	s3 =	sld [smem:$0x3FFE];
	_ =	sdelay $0x1  }
0x8a: {  	s1 =	srdreg.scid  }
0x8b: {  	s0 =	sand.u32 $0x1, s1  }
0x8c: {  	s14 =	sshll.u32 s0, $0xA;
	s2 =	sadd.s32 s3, s2  }
0x8d: {  	s2 =	sadd.s32 s2, s14  }
0x8e: {  	[smem:$0x3FC6] =	sst s2  }
0x8f: {  	_ = 	snop  }
0x90: {  	s2 =	sld [smem:$0x3FD0];
	_ =	sdelay $0x2  }
0x91: {  	s15 =	simm.s32 $0xA;
	s4 =	simm.s32 $0x10  }
0x92: {  	[smem:s4], [sflag:s15] =	dma.local [hbm:s2], $0x1  }
0x93: {  	_ =	swait.eq [sflag:s15], $0x1  }
0x94: {  	[sflag:s15] =	ssyncset.done $0x0  }
0x95: {  	[sflag:s15] =	ssyncadd.s32 $0xFFFFFFFF  }
0x96: {  	s16 =	sld [smem:$0x10];
	(tm) =	ssettm $0x1  }
0x97: {  	s17 =	sld [smem:$0x3FFB];
	_ =	sdelay $0x3  }
0x98: {  	_ =	strace s17  }
0x99: {  	s3 =	sld [smem:$0x3FFC];
	_ =	sdelay $0x3  }
0x9a: {  	_ =	strace s3  }
0x9b: {  	s3 =	sld [smem:$0x3FFD];
	_ =	sdelay $0x3  }
0x9c: {  	_ =	strace s3  }
0x9d: {  	_ =	strace $0x8FFFFFFF  }
0x9e: {  	s18 =	sld [smem:$0x3FDB];
	_ =	sdelay $0x1  }
0x9f: {  	s19 =	simm.s32 $_scs_section_size  }
0xa0: {  	s5 =	simm.s32 $_size__tile_overlayer_lowered;
	s6 =	simm.s32 $_tile_overlayer_lowered  }
0xa1: {  	s22 =	simm.s32 $0x1BFF;
	s21 =	sshll.u32 s6, $0x1;
	s3 =	sadd.s32 s19, s18  }
0xa2: {  	s7 =	simm.s32 $0x0;
	s20 =	sshll.u32 s5, $0x1;
	s5 =	sadd.s32 s21, s3  }
0xa3: {  	[timem:s7], [sflag:s22] =	dma.local [hbm:s5], s20  }
0xa4: {  	_ =	swait.ge [sflag:s22], s20  }
0xa5: {  	s4 =	ssub.s32 $0x0, s20;
	[sflag:s22] =	ssyncset.done $0x0  }
0xa6: {  	[sflag:s22] =	ssyncadd.s32 s4;
	_ =	sdelay $0x1  }
0xa7: {  	s23 =	simm.s32 $0x1B8B  }
0xa8: {  	_ =	swait.ge [sflag:s23], $0x1  }
0xa9: {  	[sflag:s23] =	ssyncset.done $0x0  }
0xaa: {  	s25 =	simm.s32 $0x1B8E;
	s24 =	sld [smem:$0x3FFE];
	[sflag:s23] =	ssyncadd.s32 $0xFFFFFFFF  }
0xab: {  	s26 =	simm.s32 $execute0_lowered;
	[smem:$0x3FD2] =	sst s25  }
0xac: {  	s5 =	sshll.u32 s26, $0x1;
	_ =	strace $0x80000049;
	[dreg:$0x1] =	wrdreg $0xFFFFFFFF  }
0xad: {  	s28 =	simm.s32 $_size_execute0_lowered;
	s3 =	sadd.s32 s3, s5;
	[dreg:$0x0] =	wrdreg $0x0  }
0xae: {  	s5 =	sshll.u32 s28, $0x1;
	[dreg:$0x2] =	wrdreg s3  }
0xaf: {  	[dreg:$0x3] =	wrdreg s5  }
0xb0: {  	[dreg:$0x4] =	wrdreg $0xC0  }
0xb1: {  	_ =	task [dreg:s7], $0x5FFFF  }
0xb2: {  	[dreg:$0x1] =	wrdreg $0xFFFFFFFF  }
0xb3: {  	[dreg:$0x0] =	wrdreg $0x60  }
0xb4: {  	[dreg:$0x2] =	wrdreg s24  }
0xb5: {  	[dreg:$0x3] =	wrdreg s16  }
0xb6: {  	[dreg:$0x4] =	wrdreg $0x9  }
0xb7: {  	_ =	task.clear_ibuf [dreg:s7], $0x5FFFF;
	_ =	strace $0x90000049  }
0xb8: {  	s29 =	simm.s32 $0x9;
	_ =	strace $0x8000004B  }
0xb9: {  	_ =	swait.ge [sflag:s29], $0x1  }
0xba: {  	[sflag:s29] =	ssyncadd.s32 $0xFFFFFFFF  }
0xbb: {  	_ =	strace $0x9000004B  }
0xbc: {  	_ =	sfence  }
0xbd: {  	s30 =	sld [smem:$0x0];
	_ =	sdelay $0x2  }
0xbe: {  	s31 =	sshll.u32 s1, $0xD;
	s1 =	sshrl.u32 s1, $0x2  }
0xbf: {  	s3 =	sand.u32 $0x4000, s31;
	s1 =	sadd.s32 s1, s30  }
0xc0: {  	s0 =	sor.u32 s3, s0;
	s1 =	sshll.u32 s1, $0x11  }
0xc1: {  	s0 =	sor.u32 s1, s0  }
0xc2: {  	s0 =	sadd.s32 $0x8F2B, s0  }
0xc3: {  	[sflag:s0] =	ssyncadd.remote.s32 $0x1  }
0xc4: {  	_ =	sfence.sel $0xFFFF  }
0xc5: {  	[dreg:$0x0] =	wrdreg $0xFFFFFFFF;
	(pc) =	sbr.abs _section_cstart, $3  }
0xc6: {  	[dreg:$0x1] =	wrdreg $0xFFFFFFFF  }
0xc7: {  	_ =	task.clear_ibuf [dreg:s7], $0x2FFFF;
	_ =	strace $0x9FFFFFFF  }
0xc8: {  	(tm) =	ssettm $0x7FFFFFFF  }
0xc9: {  	_ =	shalt  }
tec
execute0_lowered:
.L_overlay_start_1:
0x0: {  	(tag) =	ssettag $0x1  }
0x1: {  	s1 =	srdreg.scid  }
0x2: {  	s0 =	stileid.u32;
	s11 =	sand.u32 $0x1, s1  }
0x3: {  	s12 =	rddreg [dreg:$0x0];
	s28 =	sshll.u32 s0, $0x6;
	s2 =	sshll.u32 s11, $0x5  }
0x4: {  	s13 =	rddreg [dreg:$0x1];
	s14 =	sor.u32 s2, s28  }
0x5: {  	s1 =	rddreg [dreg:$0x2];
	s2 =	simm.s32 $0x0;
	s15 =	sshrl.u32 s14, $0x3  }
0x6: {  	[smem:$0x7FF] =	sst s2;
	s3 =	sadd.s32 s15, s12  }
0x7: {  	_ =	strace $0x8000004A;
	s4 =	sadd.s32 $0xA00, s3;
	s3 =	simm.s32 $0x3  }
0x8: {  	[tilespmem:s2], [sflag:$0x3] =	stream.linear.gather [hbm4b:s4+s2], $0x20, $0x38;
	[tilespmem:$0x140] =	vst v63  }
0x9: {  	_ =	swait.ge [sflag:s3], $0x20  }
0xa: {  	[sflag:s3] =	ssyncset.done $0x0  }
0xb: {  	s6 =	simm.s32 $0x20;
	s5 =	sadd.s32 $0x1600, s12;
	[sflag:s3] =	ssyncadd.s32 $0xFFFFFFE0  }
0xc: {  	[tilespmem:s6], [sflag:$0x1] =	stream.indirect.gather [hbm4b:s5+s6], $0x8, s2, s6, $0xb8;
	[tilespmem:$0x140] =	vst v63  }
0xd: {  	s8 =	simm.s32 $0x120;
	s9 =	simm.s32 $0x1;
	s7 =	sadd.s32 $0x6600, s12  }
0xe: {  	[tilespmem:s8], [sflag:$0x2] =	stream.indirect.gather [hbm4b:s7+s6], $0x1, s2, s6, $0xb8;
	[tilespmem:$0x140] =	vst v63  }
0xf: {  	_ =	swait.ge [sflag:s9], $0x100  }
0x10: {  	[sflag:s9] =	ssyncset.done $0x0  }
0x11: {  	s10 =	simm.s32 $0x2;
	s16 =	ssub.s32 $0x2, s11;
	[sflag:s9] =	ssyncadd.s32 $0xFFFFFF00  }
0x12: {  	s29 =	sshrl.u32 s16, $0x1;
	_ =	swait.ge [sflag:s10], $0x20  }
0x13: {  	s30 =	ssub.s32 s16, s29;
	[sflag:s10] =	ssyncset.done $0x0  }
0x14: {  	s11 =	sadd.s32 s12, s14;
	s31 =	smax.u32 s30, $0x1;
	[sflag:s10] =	ssyncadd.s32 $0xFFFFFFE0  }
0x15: {  	[hbm4b:s11+s2] =	stream.linear.scatter [tilespmem:s6], [sflag:$0x3], $0x100, $0x38;
	[tilespmem:$0x140] =	vst v63  }
0x16: {  	p0 =	sne.s32 s31, $0x1;
	_ =	swait.ge [sflag:s3], $0x100  }
.Ltmp0:
0x17: {  	[sflag:s3] =	ssyncset.done $0x0;
	(pc) =	sbr.rel @!p0 .LBB2_2-.Ltmp0, $4  }
0x18: {  	s12 =	sadd.s32 s13, s15;
	[sflag:s3] =	ssyncadd.s32 $0xFFFFFF00  }
0x19: {  	[hbm4b:s12+s2] =	stream.linear.scatter [tilespmem:s8], [sflag:$0x3], $0x20, $0x38;
	[tilespmem:$0x140] =	vst v63  }
0x1a: {  	_ =	swait.ge [sflag:s3], $0x20  }
0x1b: {  	s13 =	sadd.s32 $0xFFFFFFFF, s31;
	[sflag:s3] =	ssyncset.done $0x0  }
.LBB2_1:
0x1c: {  	p0 =	sne.s32 s13, $0x1;
	s13 =	sadd.s32 $0xFFFFFFFF, s13;
	[sflag:s3] =	ssyncadd.s32 $0xFFFFFFE0  }
0x1d: {  	[tilespmem:s2], [sflag:$0x3] =	stream.linear.gather [hbm4b:s4+s2], $0x20, $0x38;
	[tilespmem:$0x140] =	vst v63  }
0x1e: {  	_ =	swait.ge [sflag:s3], $0x20  }
0x1f: {  	[sflag:s3] =	ssyncset.done $0x0  }
0x20: {  	[sflag:s3] =	ssyncadd.s32 $0xFFFFFFE0  }
0x21: {  	[tilespmem:s6], [sflag:$0x1] =	stream.indirect.gather [hbm4b:s5+s6], $0x8, s2, s6, $0xb8;
	[tilespmem:$0x140] =	vst v63  }
0x22: {  	_ = 	snop  }
0x23: {  	[tilespmem:s8], [sflag:$0x2] =	stream.indirect.gather [hbm4b:s7+s6], $0x1, s2, s6, $0xb8;
	[tilespmem:$0x140] =	vst v63  }
0x24: {  	_ =	swait.ge [sflag:s9], $0x100  }
0x25: {  	[sflag:s9] =	ssyncset.done $0x0  }
0x26: {  	[sflag:s9] =	ssyncadd.s32 $0xFFFFFF00  }
0x27: {  	_ =	swait.ge [sflag:s10], $0x20  }
0x28: {  	[sflag:s10] =	ssyncset.done $0x0  }
0x29: {  	[sflag:s10] =	ssyncadd.s32 $0xFFFFFFE0  }
0x2a: {  	[hbm4b:s11+s2] =	stream.linear.scatter [tilespmem:s6], [sflag:$0x3], $0x100, $0x38;
	[tilespmem:$0x140] =	vst v63  }
0x2b: {  	_ =	swait.ge [sflag:s3], $0x100  }
.Ltmp1:
0x2c: {  	[sflag:s3] =	ssyncset.done $0x0;
	(pc) =	sbr.rel @p0 .LBB2_1-.Ltmp1, $4  }
0x2d: {  	[sflag:s3] =	ssyncadd.s32 $0xFFFFFF00  }
0x2e: {  	[hbm4b:s12+s2] =	stream.linear.scatter [tilespmem:s8], [sflag:$0x3], $0x20, $0x38;
	[tilespmem:$0x140] =	vst v63  }
0x2f: {  	_ =	swait.ge [sflag:s3], $0x20  }
0x30: {  	[sflag:s3] =	ssyncset.done $0x0  }
.LBB2_2:
0x31: {  	[sflag:s3] =	ssyncadd.s32 $0xFFFFFFE0  }
0x32: {  	_ =	sfence.sel $0x180000  }
0x33: {  	[bflag:$0x0] =	sbarrier.arrive $0xFFFF  }
0x34: {  	p0 =	sne.s32 s0, $0x0;
	_ =	strace $0x9000004A  }
0x35: {  	s0 =	sadd.s32 @!p0 $0x100000, s1;
	[bflag:$0x2] =	sbarrier.arrive $0xFFFF  }
0x36: {  	[sflag:s0] =	ssyncadd.tile.s32 @!p0 $0x1;
	_ =	shalt  }
.Lfunc_end2:
_tile_overlayer_lowered:
.L_overlay_start_2:
0x37: {  	(tag) =	ssettag $0x2  }
0x38: {  	s0 =	rddreg [dreg:$0x0];
	s2 =	stileid.u32  }
0x39: {  	s1 =	rddreg [dreg:$0x1];
	p0 =	sne.s32 s2, $0x0  }
0x3a: {  	s3 =	rddreg [dreg:$0x2];
	[bflag:$0x3] =	sbarrier.arrive $0xFFFF;
	s2 =	simm.s32 @!p0 $0x1C03  }
0x3b: {  	[timem:s3], [sflag:s2] =	dma.local @!p0 [hbm:s0], s1  }
0x3c: {  	s0 =	simm.s32 @!p0 $0x3  }
0x3d: {  	_ =	swait.ge @!p0 [sflag:s0], s1  }
0x3e: {  	s1 =	ssub.s32 @!p0 $0x0, s1;
	[sflag:s0] =	ssyncset.done @!p0 $0x0  }
0x3f: {  	[sflag:s0] =	ssyncadd.s32 @!p0 s1  }
0x40: {  	[bflag:$0x3] =	sbarrier.arrive $0xFFFF  }
0x41: {  	_ =	shalt  }

</sc_bundles>
